<compile_context>
chip_gen: v7x
topology: tpu7x:2x2x1
jax: 0.10.2.dev20260603
libtpu: 0.0.44.dev20260713+nightly
codegen_flags: <defaults>
</compile_context>

<pallas_src>
import functools

import jax
import jax.numpy as jnp
from jax import lax
from jax.experimental import pallas as pl
from jax.experimental.pallas import tpu as pltpu
from jax.experimental.pallas import tpu_sc as plsc

N_NODES = 10000
D = 128
N_EDGES = 320000
NC, NS = 2, 16
NW = NC * NS
GROUP = 128
G = 80
E_PAD = NW * G * GROUP
ROWS_PER_TILE = 632
N_PAD = NS * ROWS_PER_TILE

_mesh = plsc.VectorSubcoreMesh(
    core_axis_name="c", subcore_axis_name="s", num_cores=NC, num_subcores=NS
)


@functools.partial(
    pl.kernel,
    out_type=jax.ShapeDtypeStruct((NC, N_PAD, D), jnp.float32),
    mesh=_mesh,
    scratch_types=[
        pltpu.VMEM((G, GROUP), jnp.int32),
        pltpu.VMEM((GROUP,), jnp.int32),
        pltpu.VMEM((GROUP,), jnp.int32),
        pltpu.VMEM((GROUP,), jnp.int32),
        pltpu.VMEM((GROUP,), jnp.int32),
        pltpu.VMEM((GROUP, D), jnp.float32),
        pltpu.VMEM((GROUP, D), jnp.float32),
        pltpu.VMEM_SHARED((N_PAD, D), jnp.float32),
        pltpu.SemaphoreType.DMA,
        pltpu.SemaphoreType.DMA,
        pltpu.SemaphoreType.DMA,
        pltpu.SemaphoreType.DMA,
    ],
)
def _gcn_aggregate(feat_hbm, pk_hbm, zeros_hbm, out_hbm,
                   pk, sA, dA, sB, dB, rowsA, rowsB, hagg,
                   gsA, gsB, ssA, ssB):
    cid = lax.axis_index("c")
    sid = lax.axis_index("s")
    wid = sid * NC + cid

    with jax.named_scope("agg_init"):
        pltpu.async_copy(pk_hbm.at[wid], pk, gsA)
        pltpu.sync_copy(
            zeros_hbm.at[pl.ds(sid * ROWS_PER_TILE, ROWS_PER_TILE)],
            hagg.at[pl.ds(sid * ROWS_PER_TILE, ROWS_PER_TILE)])
        pltpu.make_async_copy(pk_hbm.at[wid], pk, gsA).wait()
        plsc.subcore_barrier()

    def unpack(j, s_ref, d_ref):
        for t in range(GROUP // 16):
            w = pk[j, pl.ds(16 * t, 16)]
            s_ref[pl.ds(16 * t, 16)] = jnp.bitwise_and(w, 0xFFFF)
            d_ref[pl.ds(16 * t, 16)] = lax.shift_right_logical(w, 16)

    def g_start(s_ref, rows_ref, sem):
        pltpu.async_copy(feat_hbm.at[s_ref], rows_ref, sem)

    def g_wait(s_ref, rows_ref, sem):
        pltpu.make_async_copy(feat_hbm.at[s_ref], rows_ref, sem).wait()

    def s_start(d_ref, rows_ref, sem):
        pltpu.async_copy(rows_ref, hagg.at[d_ref], sem, add=True)

    def s_wait(d_ref, rows_ref, sem):
        pltpu.make_async_copy(rows_ref, hagg.at[d_ref], sem).wait()

    with jax.named_scope("agg_edges"):
        unpack(0, sA, dA)
        g_start(sA, rowsA, gsA)
        unpack(1, sB, dB)
        g_start(sB, rowsB, gsB)
        g_wait(sA, rowsA, gsA)
        s_start(dA, rowsA, ssA)

        def body(jj, carry):
            j = 2 * jj
            g_wait(sB, rowsB, gsB)
            s_wait(dA, rowsA, ssA)
            unpack(j, sA, dA)
            g_start(sA, rowsA, gsA)
            s_start(dB, rowsB, ssB)
            g_wait(sA, rowsA, gsA)
            s_wait(dB, rowsB, ssB)
            unpack(j + 1, sB, dB)
            g_start(sB, rowsB, gsB)
            s_start(dA, rowsA, ssA)
            return carry

        lax.fori_loop(1, G // 2, body, 0)

        g_wait(sB, rowsB, gsB)
        s_wait(dA, rowsA, ssA)
        s_start(dB, rowsB, ssB)
        s_wait(dB, rowsB, ssB)
        plsc.subcore_barrier()

    with jax.named_scope("agg_writeout"):
        pltpu.sync_copy(
            hagg.at[pl.ds(sid * ROWS_PER_TILE, ROWS_PER_TILE)],
            out_hbm.at[cid, pl.ds(sid * ROWS_PER_TILE, ROWS_PER_TILE)])


def _linear_relu_body(parts_ref, wt_ref, b_ref, o_ref):
    x = parts_ref[0] + parts_ref[1]
    y = jnp.dot(x, wt_ref[...], preferred_element_type=jnp.float32)
    o_ref[...] = jnp.maximum(y + b_ref[...], 0.0)


_BLK = 2000


def _apply_linear_relu(parts, wt, b2):
    return pl.pallas_call(
        _linear_relu_body,
        grid=(N_NODES // _BLK,),
        in_specs=[
            pl.BlockSpec((NC, _BLK, D), lambda i: (0, i, 0)),
            pl.BlockSpec((D, D), lambda i: (0, 0)),
            pl.BlockSpec((1, D), lambda i: (0, 0)),
        ],
        out_specs=pl.BlockSpec((_BLK, D), lambda i: (i, 0)),
        out_shape=jax.ShapeDtypeStruct((N_NODES, D), jnp.float32),
    )(parts, wt, b2)


@jax.jit
def kernel(feature, edge_index, W, b):
    src = edge_index[0].astype(jnp.int32)
    dst = edge_index[1].astype(jnp.int32)
    pad = E_PAD - N_EDGES
    idx = jnp.arange(pad, dtype=jnp.int32)
    src_p = jnp.concatenate([src, idx % 128])
    dst_p = jnp.concatenate([dst, N_NODES + idx % (N_PAD - N_NODES)])
    packed = jnp.bitwise_or(
        src_p, lax.shift_left(dst_p, 16)).reshape(NW, G, GROUP)
    zeros = jnp.zeros((N_PAD, D), jnp.float32)
    parts = _gcn_aggregate(feature, packed, zeros)
    return _apply_linear_relu(parts, W.T, b.reshape(1, D))

# --- scband reference (transcript-rebuilt; emitter-appended) ---
"""Pipeline reference for scband-gcn-29764123361867 (READ-ONLY COPY).

The authoritative reference and input builder live on the scoring server;
editing this copy changes nothing except your own understanding.
"""

import jax, jax.numpy as jnp
import numpy as np

N_NODES = 10000
N_EDGES = 320000
IN_FEATS = 128
OUT_FEATS = 128


def setup_inputs(seed: int = 0) -> dict:
    key = jax.random.key(seed)
    k1, k2, k3, k4 = jax.random.split(key, 4)
    feature = jax.random.normal(k1, (N_NODES, IN_FEATS), dtype=jnp.float32)
    edge_index = jax.random.randint(k2, (2, N_EDGES), 0, N_NODES, dtype=jnp.int64)
    # Linear layer parameters (torch nn.Linear: W [out, in], b [out])
    bound = 1.0 / np.sqrt(IN_FEATS)
    W = jax.random.uniform(k3, (OUT_FEATS, IN_FEATS), dtype=jnp.float32, minval=-bound, maxval=bound)
    b = jax.random.uniform(k4, (OUT_FEATS,), dtype=jnp.float32, minval=-bound, maxval=bound)
    return {"feature": feature, "edge_index": edge_index, "W": W, "b": b}


def reference(feature, edge_index, W, b):
    # gcn_msg = copy_src('h') ; gcn_reduce = sum -> scatter-add of src feats onto dst nodes
    src = edge_index[0]
    dst = edge_index[1]
    messages = jnp.take(feature, src, axis=0)  # gather [E, d]
    h_agg = jnp.zeros((feature.shape[0], feature.shape[1]), dtype=feature.dtype).at[dst].add(messages)
    # NodeApplyModule: relu(linear(h))
    h = jax.nn.relu(h_agg @ W.T + b)
    return h

if __name__ == "__main__":
    import jax
    _d = setup_inputs()
    print(jax.jit(kernel)(*tuple(_d.values())))

</pallas_src>

<mosaic_0001>
#map = affine_map<(d0, d1) -> (0, 0)>
#map1 = affine_map<(d0, d1) -> (0, 0, 0)>
module attributes {stable_mosaic.version = 14 : i64} {
  func.func @_gcn_aggregate(%arg0: i32, %arg1: i32, %arg2: memref<10000x128xf32, #tpu.memory_space<hbm>>, %arg3: memref<32x80x128xi32, #tpu.memory_space<hbm>>, %arg4: memref<10112x128xf32, #tpu.memory_space<hbm>>, %arg5: memref<2x10112x128xf32, #tpu.memory_space<hbm>>, %arg6: memref<80x128xi32, #tpu.memory_space<vmem>>, %arg7: memref<128xi32, #tpu.memory_space<vmem>>, %arg8: memref<128xi32, #tpu.memory_space<vmem>>, %arg9: memref<128xi32, #tpu.memory_space<vmem>>, %arg10: memref<128xi32, #tpu.memory_space<vmem>>, %arg11: memref<128x128xf32, #tpu.memory_space<vmem>>, %arg12: memref<128x128xf32, #tpu.memory_space<vmem>>, %arg13: memref<10112x128xf32, #tpu.memory_space<vmem_shared>>, %arg14: memref<!tpu.dma_semaphore, #tpu.memory_space<semaphore_mem>>, %arg15: memref<!tpu.dma_semaphore, #tpu.memory_space<semaphore_mem>>, %arg16: memref<!tpu.dma_semaphore, #tpu.memory_space<semaphore_mem>>, %arg17: memref<!tpu.dma_semaphore, #tpu.memory_space<semaphore_mem>>) attributes {dimension_semantics = [#tpu.dimension_semantics<core_parallel>, #tpu.dimension_semantics<subcore_parallel>], iteration_bounds = array<i64: 2, 16>, scalar_prefetch = 0 : i64, scratch_operands = 12 : i64, tpu.core_type = #tpu.core_type<sc_vector_subcore>, window_params = [{transform_indices = #map}, {transform_indices = #map1}, {transform_indices = #map}, {transform_indices = #map1}]} {
    %mul3A = arith.constant 2 : i32
    %mul3A_0 = arith.muli %arg1, %mul3A : i32
    %add3A = arith.addi %mul3A_0, %arg0 : i32
    "tpu.trace_start"() <{level = 10 : i32, message = "agg_init"}> : () -> ()
    %dma_start3A = arith.constant 0 : i32
    %dma_start3A_1 = arith.constant 0 : i32
    %dma_start3A_2 = tpu.memref_slice %arg3[%add3A, %dma_start3A, %dma_start3A_1] : memref<32x80x128xi32, #tpu.memory_space<hbm>> -> memref<1x80x128xi32, #tpu.memory_space<hbm>>
    %dma_start3A_3 = tpu.memref_squeeze %dma_start3A_2 : memref<1x80x128xi32, #tpu.memory_space<hbm>> -> memref<80x128xi32, #tpu.memory_space<hbm>>
    %dma_start3A_4 = arith.constant 0 : i32
    %dma_start3A_5 = arith.constant 0 : i32
    %dma_start3A_6 = tpu.memref_slice %arg3[%add3A, %dma_start3A_4, %dma_start3A_5] : memref<32x80x128xi32, #tpu.memory_space<hbm>> -> memref<1x80x128xi32, #tpu.memory_space<hbm>>
    %dma_start3A_7 = tpu.memref_squeeze %dma_start3A_6 : memref<1x80x128xi32, #tpu.memory_space<hbm>> -> memref<80x128xi32, #tpu.memory_space<hbm>>
    tpu.enqueue_dma source(%dma_start3A_7 : memref<80x128xi32, #tpu.memory_space<hbm>>) target(%arg6 : memref<80x128xi32, #tpu.memory_space<vmem>>) target_semaphore(%arg14 : memref<!tpu.dma_semaphore, #tpu.memory_space<semaphore_mem>>)
    %mul3A_8 = arith.constant 632 : i32
    %mul3A_9 = arith.muli %arg1, %mul3A_8 : i32
    %mul3A_10 = arith.constant 632 : i32
    %mul3A_11 = arith.muli %arg1, %mul3A_10 : i32
    "tpu.region"() ({
      %run_scoped3A = tpu.sem_alloc : memref<!tpu.dma_semaphore, #tpu.memory_space<semaphore_mem>>
      %dma_start3A_353 = arith.constant 0 : i32
      %dma_start3A_354 = tpu.memref_slice %arg13[%mul3A_11, %dma_start3A_353] : memref<10112x128xf32, #tpu.memory_space<vmem_shared>> -> memref<632x128xf32, #tpu.memory_space<vmem_shared>>
      %dma_start3A_355 = arith.constant 0 : i32
      %dma_start3A_356 = tpu.memref_slice %arg4[%mul3A_9, %dma_start3A_355] : memref<10112x128xf32, #tpu.memory_space<hbm>> -> memref<632x128xf32, #tpu.memory_space<hbm>>
      tpu.enqueue_dma source(%dma_start3A_356 : memref<632x128xf32, #tpu.memory_space<hbm>>) target(%dma_start3A_354 : memref<632x128xf32, #tpu.memory_space<vmem_shared>>) target_semaphore(%run_scoped3A : memref<!tpu.dma_semaphore, #tpu.memory_space<semaphore_mem>>)
      %dma_wait3A_357 = arith.constant 0 : i32
      %dma_wait3A_358 = tpu.memref_slice %arg13[%mul3A_11, %dma_wait3A_357] : memref<10112x128xf32, #tpu.memory_space<vmem_shared>> -> memref<632x128xf32, #tpu.memory_space<vmem_shared>>
      %dma_wait3A_359 = arith.constant 0 : i32
      %dma_wait3A_360 = tpu.memref_slice %arg4[%mul3A_9, %dma_wait3A_359] : memref<10112x128xf32, #tpu.memory_space<hbm>> -> memref<632x128xf32, #tpu.memory_space<hbm>>
      tpu.wait_dma2 semaphore(%run_scoped3A : memref<!tpu.dma_semaphore, #tpu.memory_space<semaphore_mem>>) src(%dma_wait3A_360 : memref<632x128xf32, #tpu.memory_space<hbm>>) dst(%dma_wait3A_358 : memref<632x128xf32, #tpu.memory_space<vmem_shared>>)
      tpu.yield
    }) : () -> ()
    %dma_wait3A = arith.constant 0 : i32
    %dma_wait3A_12 = arith.constant 0 : i32
    %dma_wait3A_13 = tpu.memref_slice %arg3[%add3A, %dma_wait3A, %dma_wait3A_12] : memref<32x80x128xi32, #tpu.memory_space<hbm>> -> memref<1x80x128xi32, #tpu.memory_space<hbm>>
    %dma_wait3A_14 = tpu.memref_squeeze %dma_wait3A_13 : memref<1x80x128xi32, #tpu.memory_space<hbm>> -> memref<80x128xi32, #tpu.memory_space<hbm>>
    %dma_wait3A_15 = arith.constant 0 : i32
    %dma_wait3A_16 = arith.constant 0 : i32
    %dma_wait3A_17 = tpu.memref_slice %arg3[%add3A, %dma_wait3A_15, %dma_wait3A_16] : memref<32x80x128xi32, #tpu.memory_space<hbm>> -> memref<1x80x128xi32, #tpu.memory_space<hbm>>
    %dma_wait3A_18 = tpu.memref_squeeze %dma_wait3A_17 : memref<1x80x128xi32, #tpu.memory_space<hbm>> -> memref<80x128xi32, #tpu.memory_space<hbm>>
    tpu.wait_dma2 semaphore(%arg14 : memref<!tpu.dma_semaphore, #tpu.memory_space<semaphore_mem>>) src(%dma_wait3A_18 : memref<80x128xi32, #tpu.memory_space<hbm>>) dst(%arg6 : memref<80x128xi32, #tpu.memory_space<vmem>>)
    %barrier3A = arith.constant 0 : index
    tpu.barrier barrier_id(%barrier3A)
    %get3A = arith.constant 0 : i32
    "tpu.trace_stop"() : () -> ()
    "tpu.trace_start"() <{level = 10 : i32, message = "agg_edges"}> : () -> ()
    %get3A_19 = arith.index_cast %get3A : i32 to index
    %get3A_20 = arith.constant 0 : index
    %get3A_21 = tpu.vector_load %arg6[%get3A_19, %get3A_20] {strides = array<i32>} : memref<80x128xi32, #tpu.memory_space<vmem>>, vector<1x16xi32>,
    %get3A_22 = vector.shape_cast %get3A_21 : vector<1x16xi32> to vector<16xi32>
    %and3A = arith.constant 65535 : i32
    %and3A_23 = vector.broadcast %and3A : i32 to vector<16xi32>
    %and3A_24 = arith.andi %get3A_22, %and3A_23 : vector<16xi32>
    %swap3A = arith.constant 0 : index
    %swap3A_25 = tpu.vector_load %arg7[%swap3A] {strides = array<i32>} : memref<128xi32, #tpu.memory_space<vmem>>, vector<16xi32>,
    %swap3A_26 = vector.shape_cast %swap3A_25 : vector<16xi32> to vector<16xi32>
    %swap3A_27 = vector.shape_cast %and3A_24 : vector<16xi32> to vector<16xi32>
    tpu.vector_store %arg7[%swap3A], %swap3A_27 {strides = array<i32>} : memref<128xi32, #tpu.memory_space<vmem>>, vector<16xi32>,
    %shift_right_logical3A = arith.constant 16 : i32
    %shift_right_logical3A_28 = vector.broadcast %shift_right_logical3A : i32 to vector<16xi32>
    %shift_right_logical3A_29 = arith.shrui %get3A_22, %shift_right_logical3A_28 : vector<16xi32>
    %swap3A_30 = arith.constant 0 : index
    %swap3A_31 = tpu.vector_load %arg8[%swap3A_30] {strides = array<i32>} : memref<128xi32, #tpu.memory_space<vmem>>, vector<16xi32>,
    %swap3A_32 = vector.shape_cast %swap3A_31 : vector<16xi32> to vector<16xi32>
    %swap3A_33 = vector.shape_cast %shift_right_logical3A_29 : vector<16xi32> to vector<16xi32>
    tpu.vector_store %arg8[%swap3A_30], %swap3A_33 {strides = array<i32>} : memref<128xi32, #tpu.memory_space<vmem>>, vector<16xi32>,
    %get3A_34 = arith.constant 0 : i32
    %get3A_35 = arith.index_cast %get3A_34 : i32 to index
    %get3A_36 = arith.constant 16 : index
    %get3A_37 = tpu.vector_load %arg6[%get3A_35, %get3A_36] {strides = array<i32>} : memref<80x128xi32, #tpu.memory_space<vmem>>, vector<1x16xi32>,
    %get3A_38 = vector.shape_cast %get3A_37 : vector<1x16xi32> to vector<16xi32>
    %and3A_39 = arith.constant 65535 : i32
    %and3A_40 = vector.broadcast %and3A_39 : i32 to vector<16xi32>
    %and3A_41 = arith.andi %get3A_38, %and3A_40 : vector<16xi32>
    %swap3A_42 = arith.constant 16 : index
    %swap3A_43 = tpu.vector_load %arg7[%swap3A_42] {strides = array<i32>} : memref<128xi32, #tpu.memory_space<vmem>>, vector<16xi32>,
    %swap3A_44 = vector.shape_cast %swap3A_43 : vector<16xi32> to vector<16xi32>
    %swap3A_45 = vector.shape_cast %and3A_41 : vector<16xi32> to vector<16xi32>
    tpu.vector_store %arg7[%swap3A_42], %swap3A_45 {strides = array<i32>} : memref<128xi32, #tpu.memory_space<vmem>>, vector<16xi32>,
    %shift_right_logical3A_46 = arith.constant 16 : i32
    %shift_right_logical3A_47 = vector.broadcast %shift_right_logical3A_46 : i32 to vector<16xi32>
    %shift_right_logical3A_48 = arith.shrui %get3A_38, %shift_right_logical3A_47 : vector<16xi32>
    %swap3A_49 = arith.constant 16 : index
    %swap3A_50 = tpu.vector_load %arg8[%swap3A_49] {strides = array<i32>} : memref<128xi32, #tpu.memory_space<vmem>>, vector<16xi32>,
    %swap3A_51 = vector.shape_cast %swap3A_50 : vector<16xi32> to vector<16xi32>
    %swap3A_52 = vector.shape_cast %shift_right_logical3A_48 : vector<16xi32> to vector<16xi32>
    tpu.vector_store %arg8[%swap3A_49], %swap3A_52 {strides = array<i32>} : memref<128xi32, #tpu.memory_space<vmem>>, vector<16xi32>,
    %get3A_53 = arith.constant 0 : i32
    %get3A_54 = arith.index_cast %get3A_53 : i32 to index
    %get3A_55 = arith.constant 32 : index
    %get3A_56 = tpu.vector_load %arg6[%get3A_54, %get3A_55] {strides = array<i32>} : memref<80x128xi32, #tpu.memory_space<vmem>>, vector<1x16xi32>,
    %get3A_57 = vector.shape_cast %get3A_56 : vector<1x16xi32> to vector<16xi32>
    %and3A_58 = arith.constant 65535 : i32
    %and3A_59 = vector.broadcast %and3A_58 : i32 to vector<16xi32>
    %and3A_60 = arith.andi %get3A_57, %and3A_59 : vector<16xi32>
    %swap3A_61 = arith.constant 32 : index
    %swap3A_62 = tpu.vector_load %arg7[%swap3A_61] {strides = array<i32>} : memref<128xi32, #tpu.memory_space<vmem>>, vector<16xi32>,
    %swap3A_63 = vector.shape_cast %swap3A_62 : vector<16xi32> to vector<16xi32>
    %swap3A_64 = vector.shape_cast %and3A_60 : vector<16xi32> to vector<16xi32>
    tpu.vector_store %arg7[%swap3A_61], %swap3A_64 {strides = array<i32>} : memref<128xi32, #tpu.memory_space<vmem>>, vector<16xi32>,
    %shift_right_logical3A_65 = arith.constant 16 : i32
    %shift_right_logical3A_66 = vector.broadcast %shift_right_logical3A_65 : i32 to vector<16xi32>
    %shift_right_logical3A_67 = arith.shrui %get3A_57, %shift_right_logical3A_66 : vector<16xi32>
    %swap3A_68 = arith.constant 32 : index
    %swap3A_69 = tpu.vector_load %arg8[%swap3A_68] {strides = array<i32>} : memref<128xi32, #tpu.memory_space<vmem>>, vector<16xi32>,
    %swap3A_70 = vector.shape_cast %swap3A_69 : vector<16xi32> to vector<16xi32>
    %swap3A_71 = vector.shape_cast %shift_right_logical3A_67 : vector<16xi32> to vector<16xi32>
    tpu.vector_store %arg8[%swap3A_68], %swap3A_71 {strides = array<i32>} : memref<128xi32, #tpu.memory_space<vmem>>, vector<16xi32>,
    %get3A_72 = arith.constant 0 : i32
    %get3A_73 = arith.index_cast %get3A_72 : i32 to index
    %get3A_74 = arith.constant 48 : index
    %get3A_75 = tpu.vector_load %arg6[%get3A_73, %get3A_74] {strides = array<i32>} : memref<80x128xi32, #tpu.memory_space<vmem>>, vector<1x16xi32>,
    %get3A_76 = vector.shape_cast %get3A_75 : vector<1x16xi32> to vector<16xi32>
    %and3A_77 = arith.constant 65535 : i32
    %and3A_78 = vector.broadcast %and3A_77 : i32 to vector<16xi32>
    %and3A_79 = arith.andi %get3A_76, %and3A_78 : vector<16xi32>
    %swap3A_80 = arith.constant 48 : index
    %swap3A_81 = tpu.vector_load %arg7[%swap3A_80] {strides = array<i32>} : memref<128xi32, #tpu.memory_space<vmem>>, vector<16xi32>,
    %swap3A_82 = vector.shape_cast %swap3A_81 : vector<16xi32> to vector<16xi32>
    %swap3A_83 = vector.shape_cast %and3A_79 : vector<16xi32> to vector<16xi32>
    tpu.vector_store %arg7[%swap3A_80], %swap3A_83 {strides = array<i32>} : memref<128xi32, #tpu.memory_space<vmem>>, vector<16xi32>,
    %shift_right_logical3A_84 = arith.constant 16 : i32
    %shift_right_logical3A_85 = vector.broadcast %shift_right_logical3A_84 : i32 to vector<16xi32>
    %shift_right_logical3A_86 = arith.shrui %get3A_76, %shift_right_logical3A_85 : vector<16xi32>
    %swap3A_87 = arith.constant 48 : index
    %swap3A_88 = tpu.vector_load %arg8[%swap3A_87] {strides = array<i32>} : memref<128xi32, #tpu.memory_space<vmem>>, vector<16xi32>,
    %swap3A_89 = vector.shape_cast %swap3A_88 : vector<16xi32> to vector<16xi32>
    %swap3A_90 = vector.shape_cast %shift_right_logical3A_86 : vector<16xi32> to vector<16xi32>
    tpu.vector_store %arg8[%swap3A_87], %swap3A_90 {strides = array<i32>} : memref<128xi32, #tpu.memory_space<vmem>>, vector<16xi32>,
    %get3A_91 = arith.constant 0 : i32
    %get3A_92 = arith.index_cast %get3A_91 : i32 to index
    %get3A_93 = arith.constant 64 : index
    %get3A_94 = tpu.vector_load %arg6[%get3A_92, %get3A_93] {strides = array<i32>} : memref<80x128xi32, #tpu.memory_space<vmem>>, vector<1x16xi32>,
    %get3A_95 = vector.shape_cast %get3A_94 : vector<1x16xi32> to vector<16xi32>
    %and3A_96 = arith.constant 65535 : i32
    %and3A_97 = vector.broadcast %and3A_96 : i32 to vector<16xi32>
    %and3A_98 = arith.andi %get3A_95, %and3A_97 : vector<16xi32>
    %swap3A_99 = arith.constant 64 : index
    %swap3A_100 = tpu.vector_load %arg7[%swap3A_99] {strides = array<i32>} : memref<128xi32, #tpu.memory_space<vmem>>, vector<16xi32>,
    %swap3A_101 = vector.shape_cast %swap3A_100 : vector<16xi32> to vector<16xi32>
    %swap3A_102 = vector.shape_cast %and3A_98 : vector<16xi32> to vector<16xi32>
    tpu.vector_store %arg7[%swap3A_99], %swap3A_102 {strides = array<i32>} : memref<128xi32, #tpu.memory_space<vmem>>, vector<16xi32>,
    %shift_right_logical3A_103 = arith.constant 16 : i32
    %shift_right_logical3A_104 = vector.broadcast %shift_right_logical3A_103 : i32 to vector<16xi32>
    %shift_right_logical3A_105 = arith.shrui %get3A_95, %shift_right_logical3A_104 : vector<16xi32>
    %swap3A_106 = arith.constant 64 : index
    %swap3A_107 = tpu.vector_load %arg8[%swap3A_106] {strides = array<i32>} : memref<128xi32, #tpu.memory_space<vmem>>, vector<16xi32>,
    %swap3A_108 = vector.shape_cast %swap3A_107 : vector<16xi32> to vector<16xi32>
    %swap3A_109 = vector.shape_cast %shift_right_logical3A_105 : vector<16xi32> to vector<16xi32>
    tpu.vector_store %arg8[%swap3A_106], %swap3A_109 {strides = array<i32>} : memref<128xi32, #tpu.memory_space<vmem>>, vector<16xi32>,
    %get3A_110 = arith.constant 0 : i32
    %get3A_111 = arith.index_cast %get3A_110 : i32 to index
    %get3A_112 = arith.constant 80 : index
    %get3A_113 = tpu.vector_load %arg6[%get3A_111, %get3A_112] {strides = array<i32>} : memref<80x128xi32, #tpu.memory_space<vmem>>, vector<1x16xi32>,
    %get3A_114 = vector.shape_cast %get3A_113 : vector<1x16xi32> to vector<16xi32>
    %and3A_115 = arith.constant 65535 : i32
    %and3A_116 = vector.broadcast %and3A_115 : i32 to vector<16xi32>
    %and3A_117 = arith.andi %get3A_114, %and3A_116 : vector<16xi32>
    %swap3A_118 = arith.constant 80 : index
    %swap3A_119 = tpu.vector_load %arg7[%swap3A_118] {strides = array<i32>} : memref<128xi32, #tpu.memory_space<vmem>>, vector<16xi32>,
    %swap3A_120 = vector.shape_cast %swap3A_119 : vector<16xi32> to vector<16xi32>
    %swap3A_121 = vector.shape_cast %and3A_117 : vector<16xi32> to vector<16xi32>
    tpu.vector_store %arg7[%swap3A_118], %swap3A_121 {strides = array<i32>} : memref<128xi32, #tpu.memory_space<vmem>>, vector<16xi32>,
    %shift_right_logical3A_122 = arith.constant 16 : i32
    %shift_right_logical3A_123 = vector.broadcast %shift_right_logical3A_122 : i32 to vector<16xi32>
    %shift_right_logical3A_124 = arith.shrui %get3A_114, %shift_right_logical3A_123 : vector<16xi32>
    %swap3A_125 = arith.constant 80 : index
    %swap3A_126 = tpu.vector_load %arg8[%swap3A_125] {strides = array<i32>} : memref<128xi32, #tpu.memory_space<vmem>>, vector<16xi32>,
    %swap3A_127 = vector.shape_cast %swap3A_126 : vector<16xi32> to vector<16xi32>
    %swap3A_128 = vector.shape_cast %shift_right_logical3A_124 : vector<16xi32> to vector<16xi32>
    tpu.vector_store %arg8[%swap3A_125], %swap3A_128 {strides = array<i32>} : memref<128xi32, #tpu.memory_space<vmem>>, vector<16xi32>,
    %get3A_129 = arith.constant 0 : i32
    %get3A_130 = arith.index_cast %get3A_129 : i32 to index
    %get3A_131 = arith.constant 96 : index
    %get3A_132 = tpu.vector_load %arg6[%get3A_130, %get3A_131] {strides = array<i32>} : memref<80x128xi32, #tpu.memory_space<vmem>>, vector<1x16xi32>,
    %get3A_133 = vector.shape_cast %get3A_132 : vector<1x16xi32> to vector<16xi32>
    %and3A_134 = arith.constant 65535 : i32
    %and3A_135 = vector.broadcast %and3A_134 : i32 to vector<16xi32>
    %and3A_136 = arith.andi %get3A_133, %and3A_135 : vector<16xi32>
    %swap3A_137 = arith.constant 96 : index
    %swap3A_138 = tpu.vector_load %arg7[%swap3A_137] {strides = array<i32>} : memref<128xi32, #tpu.memory_space<vmem>>, vector<16xi32>,
    %swap3A_139 = vector.shape_cast %swap3A_138 : vector<16xi32> to vector<16xi32>
    %swap3A_140 = vector.shape_cast %and3A_136 : vector<16xi32> to vector<16xi32>
    tpu.vector_store %arg7[%swap3A_137], %swap3A_140 {strides = array<i32>} : memref<128xi32, #tpu.memory_space<vmem>>, vector<16xi32>,
    %shift_right_logical3A_141 = arith.constant 16 : i32
    %shift_right_logical3A_142 = vector.broadcast %shift_right_logical3A_141 : i32 to vector<16xi32>
    %shift_right_logical3A_143 = arith.shrui %get3A_133, %shift_right_logical3A_142 : vector<16xi32>
    %swap3A_144 = arith.constant 96 : index
    %swap3A_145 = tpu.vector_load %arg8[%swap3A_144] {strides = array<i32>} : memref<128xi32, #tpu.memory_space<vmem>>, vector<16xi32>,
    %swap3A_146 = vector.shape_cast %swap3A_145 : vector<16xi32> to vector<16xi32>
    %swap3A_147 = vector.shape_cast %shift_right_logical3A_143 : vector<16xi32> to vector<16xi32>
    tpu.vector_store %arg8[%swap3A_144], %swap3A_147 {strides = array<i32>} : memref<128xi32, #tpu.memory_space<vmem>>, vector<16xi32>,
    %get3A_148 = arith.constant 0 : i32
    %get3A_149 = arith.index_cast %get3A_148 : i32 to index
    %get3A_150 = arith.constant 112 : index
    %get3A_151 = tpu.vector_load %arg6[%get3A_149, %get3A_150] {strides = array<i32>} : memref<80x128xi32, #tpu.memory_space<vmem>>, vector<1x16xi32>,
    %get3A_152 = vector.shape_cast %get3A_151 : vector<1x16xi32> to vector<16xi32>
    %and3A_153 = arith.constant 65535 : i32
    %and3A_154 = vector.broadcast %and3A_153 : i32 to vector<16xi32>
    %and3A_155 = arith.andi %get3A_152, %and3A_154 : vector<16xi32>
    %swap3A_156 = arith.constant 112 : index
    %swap3A_157 = tpu.vector_load %arg7[%swap3A_156] {strides = array<i32>} : memref<128xi32, #tpu.memory_space<vmem>>, vector<16xi32>,
    %swap3A_158 = vector.shape_cast %swap3A_157 : vector<16xi32> to vector<16xi32>
    %swap3A_159 = vector.shape_cast %and3A_155 : vector<16xi32> to vector<16xi32>
    tpu.vector_store %arg7[%swap3A_156], %swap3A_159 {strides = array<i32>} : memref<128xi32, #tpu.memory_space<vmem>>, vector<16xi32>,
    %shift_right_logical3A_160 = arith.constant 16 : i32
    %shift_right_logical3A_161 = vector.broadcast %shift_right_logical3A_160 : i32 to vector<16xi32>
    %shift_right_logical3A_162 = arith.shrui %get3A_152, %shift_right_logical3A_161 : vector<16xi32>
    %swap3A_163 = arith.constant 112 : index
    %swap3A_164 = tpu.vector_load %arg8[%swap3A_163] {strides = array<i32>} : memref<128xi32, #tpu.memory_space<vmem>>, vector<16xi32>,
    %swap3A_165 = vector.shape_cast %swap3A_164 : vector<16xi32> to vector<16xi32>
    %swap3A_166 = vector.shape_cast %shift_right_logical3A_162 : vector<16xi32> to vector<16xi32>
    tpu.vector_store %arg8[%swap3A_163], %swap3A_166 {strides = array<i32>} : memref<128xi32, #tpu.memory_space<vmem>>, vector<16xi32>,
    %dma_start3A_167 = arith.constant 0 : i32
    %dma_start3A_168 = arith.constant 0 : i32
    %dma_start3A_169 = tpu.memref_slice %arg2[%dma_start3A_167, %dma_start3A_168] : memref<10000x128xf32, #tpu.memory_space<hbm>> -> memref<10000x128xf32, #tpu.memory_space<hbm>>
    tpu.enqueue_indirect_dma source(%dma_start3A_169 : memref<10000x128xf32, #tpu.memory_space<hbm>>) target(%arg11 : memref<128x128xf32, #tpu.memory_space<vmem>>) offsets(%arg7 : memref<128xi32, #tpu.memory_space<vmem>>) semaphore(%arg14 : memref<!tpu.dma_semaphore, #tpu.memory_space<semaphore_mem>>)
    %get3A_170 = arith.constant 1 : i32
    %get3A_171 = arith.index_cast %get3A_170 : i32 to index
    %get3A_172 = arith.constant 0 : index
    %get3A_173 = tpu.vector_load %arg6[%get3A_171, %get3A_172] {strides = array<i32>} : memref<80x128xi32, #tpu.memory_space<vmem>>, vector<1x16xi32>,
    %get3A_174 = vector.shape_cast %get3A_173 : vector<1x16xi32> to vector<16xi32>
    %and3A_175 = arith.constant 65535 : i32
    %and3A_176 = vector.broadcast %and3A_175 : i32 to vector<16xi32>
    %and3A_177 = arith.andi %get3A_174, %and3A_176 : vector<16xi32>
    %swap3A_178 = arith.constant 0 : index
    %swap3A_179 = tpu.vector_load %arg9[%swap3A_178] {strides = array<i32>} : memref<128xi32, #tpu.memory_space<vmem>>, vector<16xi32>,
    %swap3A_180 = vector.shape_cast %swap3A_179 : vector<16xi32> to vector<16xi32>
    %swap3A_181 = vector.shape_cast %and3A_177 : vector<16xi32> to vector<16xi32>
    tpu.vector_store %arg9[%swap3A_178], %swap3A_181 {strides = array<i32>} : memref<128xi32, #tpu.memory_space<vmem>>, vector<16xi32>,
    %shift_right_logical3A_182 = arith.constant 16 : i32
    %shift_right_logical3A_183 = vector.broadcast %shift_right_logical3A_182 : i32 to vector<16xi32>
    %shift_right_logical3A_184 = arith.shrui %get3A_174, %shift_right_logical3A_183 : vector<16xi32>
    %swap3A_185 = arith.constant 0 : index
    %swap3A_186 = tpu.vector_load %arg10[%swap3A_185] {strides = array<i32>} : memref<128xi32, #tpu.memory_space<vmem>>, vector<16xi32>,
    %swap3A_187 = vector.shape_cast %swap3A_186 : vector<16xi32> to vector<16xi32>
    %swap3A_188 = vector.shape_cast %shift_right_logical3A_184 : vector<16xi32> to vector<16xi32>
    tpu.vector_store %arg10[%swap3A_185], %swap3A_188 {strides = array<i32>} : memref<128xi32, #tpu.memory_space<vmem>>, vector<16xi32>,
    %get3A_189 = arith.constant 1 : i32
    %get3A_190 = arith.index_cast %get3A_189 : i32 to index
    %get3A_191 = arith.constant 16 : index
    %get3A_192 = tpu.vector_load %arg6[%get3A_190, %get3A_191] {strides = array<i32>} : memref<80x128xi32, #tpu.memory_space<vmem>>, vector<1x16xi32>,
    %get3A_193 = vector.shape_cast %get3A_192 : vector<1x16xi32> to vector<16xi32>
    %and3A_194 = arith.constant 65535 : i32
    %and3A_195 = vector.broadcast %and3A_194 : i32 to vector<16xi32>
    %and3A_196 = arith.andi %get3A_193, %and3A_195 : vector<16xi32>
    %swap3A_197 = arith.constant 16 : index
    %swap3A_198 = tpu.vector_load %arg9[%swap3A_197] {strides = array<i32>} : memref<128xi32, #tpu.memory_space<vmem>>, vector<16xi32>,
    %swap3A_199 = vector.shape_cast %swap3A_198 : vector<16xi32> to vector<16xi32>
    %swap3A_200 = vector.shape_cast %and3A_196 : vector<16xi32> to vector<16xi32>
    tpu.vector_store %arg9[%swap3A_197], %swap3A_200 {strides = array<i32>} : memref<128xi32, #tpu.memory_space<vmem>>, vector<16xi32>,
    %shift_right_logical3A_201 = arith.constant 16 : i32
    %shift_right_logical3A_202 = vector.broadcast %shift_right_logical3A_201 : i32 to vector<16xi32>
    %shift_right_logical3A_203 = arith.shrui %get3A_193, %shift_right_logical3A_202 : vector<16xi32>
    %swap3A_204 = arith.constant 16 : index
    %swap3A_205 = tpu.vector_load %arg10[%swap3A_204] {strides = array<i32>} : memref<128xi32, #tpu.memory_space<vmem>>, vector<16xi32>,
    %swap3A_206 = vector.shape_cast %swap3A_205 : vector<16xi32> to vector<16xi32>
    %swap3A_207 = vector.shape_cast %shift_right_logical3A_203 : vector<16xi32> to vector<16xi32>
    tpu.vector_store %arg10[%swap3A_204], %swap3A_207 {strides = array<i32>} : memref<128xi32, #tpu.memory_space<vmem>>, vector<16xi32>,
    %get3A_208 = arith.constant 1 : i32
    %get3A_209 = arith.index_cast %get3A_208 : i32 to index
    %get3A_210 = arith.constant 32 : index
    %get3A_211 = tpu.vector_load %arg6[%get3A_209, %get3A_210] {strides = array<i32>} : memref<80x128xi32, #tpu.memory_space<vmem>>, vector<1x16xi32>,
    %get3A_212 = vector.shape_cast %get3A_211 : vector<1x16xi32> to vector<16xi32>
    %and3A_213 = arith.constant 65535 : i32
    %and3A_214 = vector.broadcast %and3A_213 : i32 to vector<16xi32>
    %and3A_215 = arith.andi %get3A_212, %and3A_214 : vector<16xi32>
    %swap3A_216 = arith.constant 32 : index
    %swap3A_217 = tpu.vector_load %arg9[%swap3A_216] {strides = array<i32>} : memref<128xi32, #tpu.memory_space<vmem>>, vector<16xi32>,
    %swap3A_218 = vector.shape_cast %swap3A_217 : vector<16xi32> to vector<16xi32>
    %swap3A_219 = vector.shape_cast %and3A_215 : vector<16xi32> to vector<16xi32>
    tpu.vector_store %arg9[%swap3A_216], %swap3A_219 {strides = array<i32>} : memref<128xi32, #tpu.memory_space<vmem>>, vector<16xi32>,
    %shift_right_logical3A_220 = arith.constant 16 : i32
    %shift_right_logical3A_221 = vector.broadcast %shift_right_logical3A_220 : i32 to vector<16xi32>
    %shift_right_logical3A_222 = arith.shrui %get3A_212, %shift_right_logical3A_221 : vector<16xi32>
    %swap3A_223 = arith.constant 32 : index
    %swap3A_224 = tpu.vector_load %arg10[%swap3A_223] {strides = array<i32>} : memref<128xi32, #tpu.memory_space<vmem>>, vector<16xi32>,
    %swap3A_225 = vector.shape_cast %swap3A_224 : vector<16xi32> to vector<16xi32>
    %swap3A_226 = vector.shape_cast %shift_right_logical3A_222 : vector<16xi32> to vector<16xi32>
    tpu.vector_store %arg10[%swap3A_223], %swap3A_226 {strides = array<i32>} : memref<128xi32, #tpu.memory_space<vmem>>, vector<16xi32>,
    %get3A_227 = arith.constant 1 : i32
    %get3A_228 = arith.index_cast %get3A_227 : i32 to index
    %get3A_229 = arith.constant 48 : index
    %get3A_230 = tpu.vector_load %arg6[%get3A_228, %get3A_229] {strides = array<i32>} : memref<80x128xi32, #tpu.memory_space<vmem>>, vector<1x16xi32>,
    %get3A_231 = vector.shape_cast %get3A_230 : vector<1x16xi32> to vector<16xi32>
    %and3A_232 = arith.constant 65535 : i32
    %and3A_233 = vector.broadcast %and3A_232 : i32 to vector<16xi32>
    %and3A_234 = arith.andi %get3A_231, %and3A_233 : vector<16xi32>
    %swap3A_235 = arith.constant 48 : index
    %swap3A_236 = tpu.vector_load %arg9[%swap3A_235] {strides = array<i32>} : memref<128xi32, #tpu.memory_space<vmem>>, vector<16xi32>,
    %swap3A_237 = vector.shape_cast %swap3A_236 : vector<16xi32> to vector<16xi32>
    %swap3A_238 = vector.shape_cast %and3A_234 : vector<16xi32> to vector<16xi32>
    tpu.vector_store %arg9[%swap3A_235], %swap3A_238 {strides = array<i32>} : memref<128xi32, #tpu.memory_space<vmem>>, vector<16xi32>,
    %shift_right_logical3A_239 = arith.constant 16 : i32
    %shift_right_logical3A_240 = vector.broadcast %shift_right_logical3A_239 : i32 to vector<16xi32>
    %shift_right_logical3A_241 = arith.shrui %get3A_231, %shift_right_logical3A_240 : vector<16xi32>
    %swap3A_242 = arith.constant 48 : index
    %swap3A_243 = tpu.vector_load %arg10[%swap3A_242] {strides = array<i32>} : memref<128xi32, #tpu.memory_space<vmem>>, vector<16xi32>,
    %swap3A_244 = vector.shape_cast %swap3A_243 : vector<16xi32> to vector<16xi32>
    %swap3A_245 = vector.shape_cast %shift_right_logical3A_241 : vector<16xi32> to vector<16xi32>
    tpu.vector_store %arg10[%swap3A_242], %swap3A_245 {strides = array<i32>} : memref<128xi32, #tpu.memory_space<vmem>>, vector<16xi32>,
    %get3A_246 = arith.constant 1 : i32
    %get3A_247 = arith.index_cast %get3A_246 : i32 to index
    %get3A_248 = arith.constant 64 : index
    %get3A_249 = tpu.vector_load %arg6[%get3A_247, %get3A_248] {strides = array<i32>} : memref<80x128xi32, #tpu.memory_space<vmem>>, vector<1x16xi32>,
    %get3A_250 = vector.shape_cast %get3A_249 : vector<1x16xi32> to vector<16xi32>
    %and3A_251 = arith.constant 65535 : i32
    %and3A_252 = vector.broadcast %and3A_251 : i32 to vector<16xi32>
    %and3A_253 = arith.andi %get3A_250, %and3A_252 : vector<16xi32>
    %swap3A_254 = arith.constant 64 : index
    %swap3A_255 = tpu.vector_load %arg9[%swap3A_254] {strides = array<i32>} : memref<128xi32, #tpu.memory_space<vmem>>, vector<16xi32>,
    %swap3A_256 = vector.shape_cast %swap3A_255 : vector<16xi32> to vector<16xi32>
    %swap3A_257 = vector.shape_cast %and3A_253 : vector<16xi32> to vector<16xi32>
    tpu.vector_store %arg9[%swap3A_254], %swap3A_257 {strides = array<i32>} : memref<128xi32, #tpu.memory_space<vmem>>, vector<16xi32>,
    %shift_right_logical3A_258 = arith.constant 16 : i32
    %shift_right_logical3A_259 = vector.broadcast %shift_right_logical3A_258 : i32 to vector<16xi32>
    %shift_right_logical3A_260 = arith.shrui %get3A_250, %shift_right_logical3A_259 : vector<16xi32>
    %swap3A_261 = arith.constant 64 : index
    %swap3A_262 = tpu.vector_load %arg10[%swap3A_261] {strides = array<i32>} : memref<128xi32, #tpu.memory_space<vmem>>, vector<16xi32>,
    %swap3A_263 = vector.shape_cast %swap3A_262 : vector<16xi32> to vector<16xi32>
    %swap3A_264 = vector.shape_cast %shift_right_logical3A_260 : vector<16xi32> to vector<16xi32>
    tpu.vector_store %arg10[%swap3A_261], %swap3A_264 {strides = array<i32>} : memref<128xi32, #tpu.memory_space<vmem>>, vector<16xi32>,
    %get3A_265 = arith.constant 1 : i32
    %get3A_266 = arith.index_cast %get3A_265 : i32 to index
    %get3A_267 = arith.constant 80 : index
    %get3A_268 = tpu.vector_load %arg6[%get3A_266, %get3A_267] {strides = array<i32>} : memref<80x128xi32, #tpu.memory_space<vmem>>, vector<1x16xi32>,
    %get3A_269 = vector.shape_cast %get3A_268 : vector<1x16xi32> to vector<16xi32>
    %and3A_270 = arith.constant 65535 : i32
    %and3A_271 = vector.broadcast %and3A_270 : i32 to vector<16xi32>
    %and3A_272 = arith.andi %get3A_269, %and3A_271 : vector<16xi32>
    %swap3A_273 = arith.constant 80 : index
    %swap3A_274 = tpu.vector_load %arg9[%swap3A_273] {strides = array<i32>} : memref<128xi32, #tpu.memory_space<vmem>>, vector<16xi32>,
    %swap3A_275 = vector.shape_cast %swap3A_274 : vector<16xi32> to vector<16xi32>
    %swap3A_276 = vector.shape_cast %and3A_272 : vector<16xi32> to vector<16xi32>
    tpu.vector_store %arg9[%swap3A_273], %swap3A_276 {strides = array<i32>} : memref<128xi32, #tpu.memory_space<vmem>>, vector<16xi32>,
    %shift_right_logical3A_277 = arith.constant 16 : i32
    %shift_right_logical3A_278 = vector.broadcast %shift_right_logical3A_277 : i32 to vector<16xi32>
    %shift_right_logical3A_279 = arith.shrui %get3A_269, %shift_right_logical3A_278 : vector<16xi32>
    %swap3A_280 = arith.constant 80 : index
    %swap3A_281 = tpu.vector_load %arg10[%swap3A_280] {strides = array<i32>} : memref<128xi32, #tpu.memory_space<vmem>>, vector<16xi32>,
    %swap3A_282 = vector.shape_cast %swap3A_281 : vector<16xi32> to vector<16xi32>
    %swap3A_283 = vector.shape_cast %shift_right_logical3A_279 : vector<16xi32> to vector<16xi32>
    tpu.vector_store %arg10[%swap3A_280], %swap3A_283 {strides = array<i32>} : memref<128xi32, #tpu.memory_space<vmem>>, vector<16xi32>,
    %get3A_284 = arith.constant 1 : i32
    %get3A_285 = arith.index_cast %get3A_284 : i32 to index
    %get3A_286 = arith.constant 96 : index
    %get3A_287 = tpu.vector_load %arg6[%get3A_285, %get3A_286] {strides = array<i32>} : memref<80x128xi32, #tpu.memory_space<vmem>>, vector<1x16xi32>,
    %get3A_288 = vector.shape_cast %get3A_287 : vector<1x16xi32> to vector<16xi32>
    %and3A_289 = arith.constant 65535 : i32
    %and3A_290 = vector.broadcast %and3A_289 : i32 to vector<16xi32>
    %and3A_291 = arith.andi %get3A_288, %and3A_290 : vector<16xi32>
    %swap3A_292 = arith.constant 96 : index
    %swap3A_293 = tpu.vector_load %arg9[%swap3A_292] {strides = array<i32>} : memref<128xi32, #tpu.memory_space<vmem>>, vector<16xi32>,
    %swap3A_294 = vector.shape_cast %swap3A_293 : vector<16xi32> to vector<16xi32>
    %swap3A_295 = vector.shape_cast %and3A_291 : vector<16xi32> to vector<16xi32>
    tpu.vector_store %arg9[%swap3A_292], %swap3A_295 {strides = array<i32>} : memref<128xi32, #tpu.memory_space<vmem>>, vector<16xi32>,
    %shift_right_logical3A_296 = arith.constant 16 : i32
    %shift_right_logical3A_297 = vector.broadcast %shift_right_logical3A_296 : i32 to vector<16xi32>
    %shift_right_logical3A_298 = arith.shrui %get3A_288, %shift_right_logical3A_297 : vector<16xi32>
    %swap3A_299 = arith.constant 96 : index
    %swap3A_300 = tpu.vector_load %arg10[%swap3A_299] {strides = array<i32>} : memref<128xi32, #tpu.memory_space<vmem>>, vector<16xi32>,
    %swap3A_301 = vector.shape_cast %swap3A_300 : vector<16xi32> to vector<16xi32>
    %swap3A_302 = vector.shape_cast %shift_right_logical3A_298 : vector<16xi32> to vector<16xi32>
    tpu.vector_store %arg10[%swap3A_299], %swap3A_302 {strides = array<i32>} : memref<128xi32, #tpu.memory_space<vmem>>, vector<16xi32>,
    %get3A_303 = arith.constant 1 : i32
    %get3A_304 = arith.index_cast %get3A_303 : i32 to index
    %get3A_305 = arith.constant 112 : index
    %get3A_306 = tpu.vector_load %arg6[%get3A_304, %get3A_305] {strides = array<i32>} : memref<80x128xi32, #tpu.memory_space<vmem>>, vector<1x16xi32>,
    %get3A_307 = vector.shape_cast %get3A_306 : vector<1x16xi32> to vector<16xi32>
    %and3A_308 = arith.constant 65535 : i32
    %and3A_309 = vector.broadcast %and3A_308 : i32 to vector<16xi32>
    %and3A_310 = arith.andi %get3A_307, %and3A_309 : vector<16xi32>
    %swap3A_311 = arith.constant 112 : index
    %swap3A_312 = tpu.vector_load %arg9[%swap3A_311] {strides = array<i32>} : memref<128xi32, #tpu.memory_space<vmem>>, vector<16xi32>,
    %swap3A_313 = vector.shape_cast %swap3A_312 : vector<16xi32> to vector<16xi32>
    %swap3A_314 = vector.shape_cast %and3A_310 : vector<16xi32> to vector<16xi32>
    tpu.vector_store %arg9[%swap3A_311], %swap3A_314 {strides = array<i32>} : memref<128xi32, #tpu.memory_space<vmem>>, vector<16xi32>,
    %shift_right_logical3A_315 = arith.constant 16 : i32
    %shift_right_logical3A_316 = vector.broadcast %shift_right_logical3A_315 : i32 to vector<16xi32>
    %shift_right_logical3A_317 = arith.shrui %get3A_307, %shift_right_logical3A_316 : vector<16xi32>
    %swap3A_318 = arith.constant 112 : index
    %swap3A_319 = tpu.vector_load %arg10[%swap3A_318] {strides = array<i32>} : memref<128xi32, #tpu.memory_space<vmem>>, vector<16xi32>,
    %swap3A_320 = vector.shape_cast %swap3A_319 : vector<16xi32> to vector<16xi32>
    %swap3A_321 = vector.shape_cast %shift_right_logical3A_317 : vector<16xi32> to vector<16xi32>
    tpu.vector_store %arg10[%swap3A_318], %swap3A_321 {strides = array<i32>} : memref<128xi32, #tpu.memory_space<vmem>>, vector<16xi32>,
    %dma_start3A_322 = arith.constant 0 : i32
    %dma_start3A_323 = arith.constant 0 : i32
    %dma_start3A_324 = tpu.memref_slice %arg2[%dma_start3A_322, %dma_start3A_323] : memref<10000x128xf32, #tpu.memory_space<hbm>> -> memref<10000x128xf32, #tpu.memory_space<hbm>>
    tpu.enqueue_indirect_dma source(%dma_start3A_324 : memref<10000x128xf32, #tpu.memory_space<hbm>>) target(%arg12 : memref<128x128xf32, #tpu.memory_space<vmem>>) offsets(%arg9 : memref<128xi32, #tpu.memory_space<vmem>>) semaphore(%arg15 : memref<!tpu.dma_semaphore, #tpu.memory_space<semaphore_mem>>)
    %dma_wait3A_325 = arith.constant 0 : i32
    %dma_wait3A_326 = arith.constant 0 : i32
    %dma_wait3A_327 = tpu.memref_slice %arg2[%dma_wait3A_325, %dma_wait3A_326] : memref<10000x128xf32, #tpu.memory_space<hbm>> -> memref<10000x128xf32, #tpu.memory_space<hbm>>
    tpu.wait_indirect_dma semaphore(%arg14 : memref<!tpu.dma_semaphore, #tpu.memory_space<semaphore_mem>>) src(%dma_wait3A_327 : memref<10000x128xf32, #tpu.memory_space<hbm>>) dst(%arg11 : memref<128x128xf32, #tpu.memory_space<vmem>>)
    %dma_start3A_328 = arith.constant 0 : i32
    %dma_start3A_329 = arith.constant 0 : i32
    %dma_start3A_330 = tpu.memref_slice %arg13[%dma_start3A_328, %dma_start3A_329] : memref<10112x128xf32, #tpu.memory_space<vmem_shared>> -> memref<10112x128xf32, #tpu.memory_space<vmem_shared>>
    tpu.enqueue_indirect_dma source(%arg11 : memref<128x128xf32, #tpu.memory_space<vmem>>) target(%dma_start3A_330 : memref<10112x128xf32, #tpu.memory_space<vmem_shared>>) offsets(%arg8 : memref<128xi32, #tpu.memory_space<vmem>>) semaphore(%arg16 : memref<!tpu.dma_semaphore, #tpu.memory_space<semaphore_mem>>) {add = true}
    %scan3A = arith.constant 0 : i32
    %scan3A_331 = arith.constant 1 : i32
    %scan3A_332 = arith.constant 39 : i32
    %scan3A_333 = arith.addi %scan3A_331, %scan3A_332 : i32
    %scan3A_334 = arith.constant 1 : i32
    scf.for %scan3A_353 = %scan3A_331 to %scan3A_333 step %scan3A_334  : i32 {
      %mul3A_354 = arith.constant 2 : i32
      %mul3A_355 = arith.muli %mul3A_354, %scan3A_353 : i32
      %dma_wait3A_356 = arith.constant 0 : i32
      %dma_wait3A_357 = arith.constant 0 : i32
      %dma_wait3A_358 = tpu.memref_slice %arg2[%dma_wait3A_356, %dma_wait3A_357] : memref<10000x128xf32, #tpu.memory_space<hbm>> -> memref<10000x128xf32, #tpu.memory_space<hbm>>
      tpu.wait_indirect_dma semaphore(%arg15 : memref<!tpu.dma_semaphore, #tpu.memory_space<semaphore_mem>>) src(%dma_wait3A_358 : memref<10000x128xf32, #tpu.memory_space<hbm>>) dst(%arg12 : memref<128x128xf32, #tpu.memory_space<vmem>>)
      %dma_wait3A_359 = arith.constant 0 : i32
      %dma_wait3A_360 = arith.constant 0 : i32
      %dma_wait3A_361 = tpu.memref_slice %arg13[%dma_wait3A_359, %dma_wait3A_360] : memref<10112x128xf32, #tpu.memory_space<vmem_shared>> -> memref<10112x128xf32, #tpu.memory_space<vmem_shared>>
      tpu.wait_indirect_dma semaphore(%arg16 : memref<!tpu.dma_semaphore, #tpu.memory_space<semaphore_mem>>) src(%arg11 : memref<128x128xf32, #tpu.memory_space<vmem>>) dst(%dma_wait3A_361 : memref<10112x128xf32, #tpu.memory_space<vmem_shared>>)
      %get3A_362 = arith.index_cast %mul3A_355 : i32 to index
      %get3A_363 = arith.constant 0 : index
      %get3A_364 = tpu.vector_load %arg6[%get3A_362, %get3A_363] {strides = array<i32>} : memref<80x128xi32, #tpu.memory_space<vmem>>, vector<1x16xi32>,
      %get3A_365 = vector.shape_cast %get3A_364 : vector<1x16xi32> to vector<16xi32>
      %and3A_366 = arith.constant 65535 : i32
      %and3A_367 = vector.broadcast %and3A_366 : i32 to vector<16xi32>
      %and3A_368 = arith.andi %get3A_365, %and3A_367 : vector<16xi32>
      %swap3A_369 = arith.constant 0 : index
      %swap3A_370 = tpu.vector_load %arg7[%swap3A_369] {strides = array<i32>} : memref<128xi32, #tpu.memory_space<vmem>>, vector<16xi32>,
      %swap3A_371 = vector.shape_cast %swap3A_370 : vector<16xi32> to vector<16xi32>
      %swap3A_372 = vector.shape_cast %and3A_368 : vector<16xi32> to vector<16xi32>
      tpu.vector_store %arg7[%swap3A_369], %swap3A_372 {strides = array<i32>} : memref<128xi32, #tpu.memory_space<vmem>>, vector<16xi32>,
      %shift_right_logical3A_373 = arith.constant 16 : i32
      %shift_right_logical3A_374 = vector.broadcast %shift_right_logical3A_373 : i32 to vector<16xi32>
      %shift_right_logical3A_375 = arith.shrui %get3A_365, %shift_right_logical3A_374 : vector<16xi32>
      %swap3A_376 = arith.constant 0 : index
      %swap3A_377 = tpu.vector_load %arg8[%swap3A_376] {strides = array<i32>} : memref<128xi32, #tpu.memory_space<vmem>>, vector<16xi32>,
      %swap3A_378 = vector.shape_cast %swap3A_377 : vector<16xi32> to vector<16xi32>
      %swap3A_379 = vector.shape_cast %shift_right_logical3A_375 : vector<16xi32> to vector<16xi32>
      tpu.vector_store %arg8[%swap3A_376], %swap3A_379 {strides = array<i32>} : memref<128xi32, #tpu.memory_space<vmem>>, vector<16xi32>,
      %get3A_380 = arith.index_cast %mul3A_355 : i32 to index
      %get3A_381 = arith.constant 16 : index
      %get3A_382 = tpu.vector_load %arg6[%get3A_380, %get3A_381] {strides = array<i32>} : memref<80x128xi32, #tpu.memory_space<vmem>>, vector<1x16xi32>,
      %get3A_383 = vector.shape_cast %get3A_382 : vector<1x16xi32> to vector<16xi32>
      %and3A_384 = arith.constant 65535 : i32
      %and3A_385 = vector.broadcast %and3A_384 : i32 to vector<16xi32>
      %and3A_386 = arith.andi %get3A_383, %and3A_385 : vector<16xi32>
      %swap3A_387 = arith.constant 16 : index
      %swap3A_388 = tpu.vector_load %arg7[%swap3A_387] {strides = array<i32>} : memref<128xi32, #tpu.memory_space<vmem>>, vector<16xi32>,
      %swap3A_389 = vector.shape_cast %swap3A_388 : vector<16xi32> to vector<16xi32>
      %swap3A_390 = vector.shape_cast %and3A_386 : vector<16xi32> to vector<16xi32>
      tpu.vector_store %arg7[%swap3A_387], %swap3A_390 {strides = array<i32>} : memref<128xi32, #tpu.memory_space<vmem>>, vector<16xi32>,
      %shift_right_logical3A_391 = arith.constant 16 : i32
      %shift_right_logical3A_392 = vector.broadcast %shift_right_logical3A_391 : i32 to vector<16xi32>
      %shift_right_logical3A_393 = arith.shrui %get3A_383, %shift_right_logical3A_392 : vector<16xi32>
      %swap3A_394 = arith.constant 16 : index
      %swap3A_395 = tpu.vector_load %arg8[%swap3A_394] {strides = array<i32>} : memref<128xi32, #tpu.memory_space<vmem>>, vector<16xi32>,
      %swap3A_396 = vector.shape_cast %swap3A_395 : vector<16xi32> to vector<16xi32>
      %swap3A_397 = vector.shape_cast %shift_right_logical3A_393 : vector<16xi32> to vector<16xi32>
      tpu.vector_store %arg8[%swap3A_394], %swap3A_397 {strides = array<i32>} : memref<128xi32, #tpu.memory_space<vmem>>, vector<16xi32>,
      %get3A_398 = arith.index_cast %mul3A_355 : i32 to index
      %get3A_399 = arith.constant 32 : index
      %get3A_400 = tpu.vector_load %arg6[%get3A_398, %get3A_399] {strides = array<i32>} : memref<80x128xi32, #tpu.memory_space<vmem>>, vector<1x16xi32>,
      %get3A_401 = vector.shape_cast %get3A_400 : vector<1x16xi32> to vector<16xi32>
      %and3A_402 = arith.constant 65535 : i32
      %and3A_403 = vector.broadcast %and3A_402 : i32 to vector<16xi32>
      %and3A_404 = arith.andi %get3A_401, %and3A_403 : vector<16xi32>
      %swap3A_405 = arith.constant 32 : index
      %swap3A_406 = tpu.vector_load %arg7[%swap3A_405] {strides = array<i32>} : memref<128xi32, #tpu.memory_space<vmem>>, vector<16xi32>,
      %swap3A_407 = vector.shape_cast %swap3A_406 : vector<16xi32> to vector<16xi32>
      %swap3A_408 = vector.shape_cast %and3A_404 : vector<16xi32> to vector<16xi32>
      tpu.vector_store %arg7[%swap3A_405], %swap3A_408 {strides = array<i32>} : memref<128xi32, #tpu.memory_space<vmem>>, vector<16xi32>,
      %shift_right_logical3A_409 = arith.constant 16 : i32
      %shift_right_logical3A_410 = vector.broadcast %shift_right_logical3A_409 : i32 to vector<16xi32>
      %shift_right_logical3A_411 = arith.shrui %get3A_401, %shift_right_logical3A_410 : vector<16xi32>
      %swap3A_412 = arith.constant 32 : index
      %swap3A_413 = tpu.vector_load %arg8[%swap3A_412] {strides = array<i32>} : memref<128xi32, #tpu.memory_space<vmem>>, vector<16xi32>,
      %swap3A_414 = vector.shape_cast %swap3A_413 : vector<16xi32> to vector<16xi32>
      %swap3A_415 = vector.shape_cast %shift_right_logical3A_411 : vector<16xi32> to vector<16xi32>
      tpu.vector_store %arg8[%swap3A_412], %swap3A_415 {strides = array<i32>} : memref<128xi32, #tpu.memory_space<vmem>>, vector<16xi32>,
      %get3A_416 = arith.index_cast %mul3A_355 : i32 to index
      %get3A_417 = arith.constant 48 : index
      %get3A_418 = tpu.vector_load %arg6[%get3A_416, %get3A_417] {strides = array<i32>} : memref<80x128xi32, #tpu.memory_space<vmem>>, vector<1x16xi32>,
      %get3A_419 = vector.shape_cast %get3A_418 : vector<1x16xi32> to vector<16xi32>
      %and3A_420 = arith.constant 65535 : i32
      %and3A_421 = vector.broadcast %and3A_420 : i32 to vector<16xi32>
      %and3A_422 = arith.andi %get3A_419, %and3A_421 : vector<16xi32>
      %swap3A_423 = arith.constant 48 : index
      %swap3A_424 = tpu.vector_load %arg7[%swap3A_423] {strides = array<i32>} : memref<128xi32, #tpu.memory_space<vmem>>, vector<16xi32>,
      %swap3A_425 = vector.shape_cast %swap3A_424 : vector<16xi32> to vector<16xi32>
      %swap3A_426 = vector.shape_cast %and3A_422 : vector<16xi32> to vector<16xi32>
      tpu.vector_store %arg7[%swap3A_423], %swap3A_426 {strides = array<i32>} : memref<128xi32, #tpu.memory_space<vmem>>, vector<16xi32>,
      %shift_right_logical3A_427 = arith.constant 16 : i32
      %shift_right_logical3A_428 = vector.broadcast %shift_right_logical3A_427 : i32 to vector<16xi32>
      %shift_right_logical3A_429 = arith.shrui %get3A_419, %shift_right_logical3A_428 : vector<16xi32>
      %swap3A_430 = arith.constant 48 : index
      %swap3A_431 = tpu.vector_load %arg8[%swap3A_430] {strides = array<i32>} : memref<128xi32, #tpu.memory_space<vmem>>, vector<16xi32>,
      %swap3A_432 = vector.shape_cast %swap3A_431 : vector<16xi32> to vector<16xi32>
      %swap3A_433 = vector.shape_cast %shift_right_logical3A_429 : vector<16xi32> to vector<16xi32>
      tpu.vector_store %arg8[%swap3A_430], %swap3A_433 {strides = array<i32>} : memref<128xi32, #tpu.memory_space<vmem>>, vector<16xi32>,
      %get3A_434 = arith.index_cast %mul3A_355 : i32 to index
      %get3A_435 = arith.constant 64 : index
      %get3A_436 = tpu.vector_load %arg6[%get3A_434, %get3A_435] {strides = array<i32>} : memref<80x128xi32, #tpu.memory_space<vmem>>, vector<1x16xi32>,
      %get3A_437 = vector.shape_cast %get3A_436 : vector<1x16xi32> to vector<16xi32>
      %and3A_438 = arith.constant 65535 : i32
      %and3A_439 = vector.broadcast %and3A_438 : i32 to vector<16xi32>
      %and3A_440 = arith.andi %get3A_437, %and3A_439 : vector<16xi32>
      %swap3A_441 = arith.constant 64 : index
      %swap3A_442 = tpu.vector_load %arg7[%swap3A_441] {strides = array<i32>} : memref<128xi32, #tpu.memory_space<vmem>>, vector<16xi32>,
      %swap3A_443 = vector.shape_cast %swap3A_442 : vector<16xi32> to vector<16xi32>
      %swap3A_444 = vector.shape_cast %and3A_440 : vector<16xi32> to vector<16xi32>
      tpu.vector_store %arg7[%swap3A_441], %swap3A_444 {strides = array<i32>} : memref<128xi32, #tpu.memory_space<vmem>>, vector<16xi32>,
      %shift_right_logical3A_445 = arith.constant 16 : i32
      %shift_right_logical3A_446 = vector.broadcast %shift_right_logical3A_445 : i32 to vector<16xi32>
      %shift_right_logical3A_447 = arith.shrui %get3A_437, %shift_right_logical3A_446 : vector<16xi32>
      %swap3A_448 = arith.constant 64 : index
      %swap3A_449 = tpu.vector_load %arg8[%swap3A_448] {strides = array<i32>} : memref<128xi32, #tpu.memory_space<vmem>>, vector<16xi32>,
      %swap3A_450 = vector.shape_cast %swap3A_449 : vector<16xi32> to vector<16xi32>
      %swap3A_451 = vector.shape_cast %shift_right_logical3A_447 : vector<16xi32> to vector<16xi32>
      tpu.vector_store %arg8[%swap3A_448], %swap3A_451 {strides = array<i32>} : memref<128xi32, #tpu.memory_space<vmem>>, vector<16xi32>,
      %get3A_452 = arith.index_cast %mul3A_355 : i32 to index
      %get3A_453 = arith.constant 80 : index
      %get3A_454 = tpu.vector_load %arg6[%get3A_452, %get3A_453] {strides = array<i32>} : memref<80x128xi32, #tpu.memory_space<vmem>>, vector<1x16xi32>,
      %get3A_455 = vector.shape_cast %get3A_454 : vector<1x16xi32> to vector<16xi32>
      %and3A_456 = arith.constant 65535 : i32
      %and3A_457 = vector.broadcast %and3A_456 : i32 to vector<16xi32>
      %and3A_458 = arith.andi %get3A_455, %and3A_457 : vector<16xi32>
      %swap3A_459 = arith.constant 80 : index
      %swap3A_460 = tpu.vector_load %arg7[%swap3A_459] {strides = array<i32>} : memref<128xi32, #tpu.memory_space<vmem>>, vector<16xi32>,
      %swap3A_461 = vector.shape_cast %swap3A_460 : vector<16xi32> to vector<16xi32>
      %swap3A_462 = vector.shape_cast %and3A_458 : vector<16xi32> to vector<16xi32>
      tpu.vector_store %arg7[%swap3A_459], %swap3A_462 {strides = array<i32>} : memref<128xi32, #tpu.memory_space<vmem>>, vector<16xi32>,
      %shift_right_logical3A_463 = arith.constant 16 : i32
      %shift_right_logical3A_464 = vector.broadcast %shift_right_logical3A_463 : i32 to vector<16xi32>
      %shift_right_logical3A_465 = arith.shrui %get3A_455, %shift_right_logical3A_464 : vector<16xi32>
      %swap3A_466 = arith.constant 80 : index
      %swap3A_467 = tpu.vector_load %arg8[%swap3A_466] {strides = array<i32>} : memref<128xi32, #tpu.memory_space<vmem>>, vector<16xi32>,
      %swap3A_468 = vector.shape_cast %swap3A_467 : vector<16xi32> to vector<16xi32>
      %swap3A_469 = vector.shape_cast %shift_right_logical3A_465 : vector<16xi32> to vector<16xi32>
      tpu.vector_store %arg8[%swap3A_466], %swap3A_469 {strides = array<i32>} : memref<128xi32, #tpu.memory_space<vmem>>, vector<16xi32>,
      %get3A_470 = arith.index_cast %mul3A_355 : i32 to index
      %get3A_471 = arith.constant 96 : index
      %get3A_472 = tpu.vector_load %arg6[%get3A_470, %get3A_471] {strides = array<i32>} : memref<80x128xi32, #tpu.memory_space<vmem>>, vector<1x16xi32>,
      %get3A_473 = vector.shape_cast %get3A_472 : vector<1x16xi32> to vector<16xi32>
      %and3A_474 = arith.constant 65535 : i32
      %and3A_475 = vector.broadcast %and3A_474 : i32 to vector<16xi32>
      %and3A_476 = arith.andi %get3A_473, %and3A_475 : vector<16xi32>
      %swap3A_477 = arith.constant 96 : index
      %swap3A_478 = tpu.vector_load %arg7[%swap3A_477] {strides = array<i32>} : memref<128xi32, #tpu.memory_space<vmem>>, vector<16xi32>,
      %swap3A_479 = vector.shape_cast %swap3A_478 : vector<16xi32> to vector<16xi32>
      %swap3A_480 = vector.shape_cast %and3A_476 : vector<16xi32> to vector<16xi32>
      tpu.vector_store %arg7[%swap3A_477], %swap3A_480 {strides = array<i32>} : memref<128xi32, #tpu.memory_space<vmem>>, vector<16xi32>,
      %shift_right_logical3A_481 = arith.constant 16 : i32
      %shift_right_logical3A_482 = vector.broadcast %shift_right_logical3A_481 : i32 to vector<16xi32>
      %shift_right_logical3A_483 = arith.shrui %get3A_473, %shift_right_logical3A_482 : vector<16xi32>
      %swap3A_484 = arith.constant 96 : index
      %swap3A_485 = tpu.vector_load %arg8[%swap3A_484] {strides = array<i32>} : memref<128xi32, #tpu.memory_space<vmem>>, vector<16xi32>,
      %swap3A_486 = vector.shape_cast %swap3A_485 : vector<16xi32> to vector<16xi32>
      %swap3A_487 = vector.shape_cast %shift_right_logical3A_483 : vector<16xi32> to vector<16xi32>
      tpu.vector_store %arg8[%swap3A_484], %swap3A_487 {strides = array<i32>} : memref<128xi32, #tpu.memory_space<vmem>>, vector<16xi32>,
      %get3A_488 = arith.index_cast %mul3A_355 : i32 to index
      %get3A_489 = arith.constant 112 : index
      %get3A_490 = tpu.vector_load %arg6[%get3A_488, %get3A_489] {strides = array<i32>} : memref<80x128xi32, #tpu.memory_space<vmem>>, vector<1x16xi32>,
      %get3A_491 = vector.shape_cast %get3A_490 : vector<1x16xi32> to vector<16xi32>
      %and3A_492 = arith.constant 65535 : i32
      %and3A_493 = vector.broadcast %and3A_492 : i32 to vector<16xi32>
      %and3A_494 = arith.andi %get3A_491, %and3A_493 : vector<16xi32>
      %swap3A_495 = arith.constant 112 : index
      %swap3A_496 = tpu.vector_load %arg7[%swap3A_495] {strides = array<i32>} : memref<128xi32, #tpu.memory_space<vmem>>, vector<16xi32>,
      %swap3A_497 = vector.shape_cast %swap3A_496 : vector<16xi32> to vector<16xi32>
      %swap3A_498 = vector.shape_cast %and3A_494 : vector<16xi32> to vector<16xi32>
      tpu.vector_store %arg7[%swap3A_495], %swap3A_498 {strides = array<i32>} : memref<128xi32, #tpu.memory_space<vmem>>, vector<16xi32>,
      %shift_right_logical3A_499 = arith.constant 16 : i32
      %shift_right_logical3A_500 = vector.broadcast %shift_right_logical3A_499 : i32 to vector<16xi32>
      %shift_right_logical3A_501 = arith.shrui %get3A_491, %shift_right_logical3A_500 : vector<16xi32>
      %swap3A_502 = arith.constant 112 : index
      %swap3A_503 = tpu.vector_load %arg8[%swap3A_502] {strides = array<i32>} : memref<128xi32, #tpu.memory_space<vmem>>, vector<16xi32>,
      %swap3A_504 = vector.shape_cast %swap3A_503 : vector<16xi32> to vector<16xi32>
      %swap3A_505 = vector.shape_cast %shift_right_logical3A_501 : vector<16xi32> to vector<16xi32>
      tpu.vector_store %arg8[%swap3A_502], %swap3A_505 {strides = array<i32>} : memref<128xi32, #tpu.memory_space<vmem>>, vector<16xi32>,
      %dma_start3A_506 = arith.constant 0 : i32
      %dma_start3A_507 = arith.constant 0 : i32
      %dma_start3A_508 = tpu.memref_slice %arg2[%dma_start3A_506, %dma_start3A_507] : memref<10000x128xf32, #tpu.memory_space<hbm>> -> memref<10000x128xf32, #tpu.memory_space<hbm>>
      tpu.enqueue_indirect_dma source(%dma_start3A_508 : memref<10000x128xf32, #tpu.memory_space<hbm>>) target(%arg11 : memref<128x128xf32, #tpu.memory_space<vmem>>) offsets(%arg7 : memref<128xi32, #tpu.memory_space<vmem>>) semaphore(%arg14 : memref<!tpu.dma_semaphore, #tpu.memory_space<semaphore_mem>>)
      %dma_start3A_509 = arith.constant 0 : i32
      %dma_start3A_510 = arith.constant 0 : i32
      %dma_start3A_511 = tpu.memref_slice %arg13[%dma_start3A_509, %dma_start3A_510] : memref<10112x128xf32, #tpu.memory_space<vmem_shared>> -> memref<10112x128xf32, #tpu.memory_space<vmem_shared>>
      tpu.enqueue_indirect_dma source(%arg12 : memref<128x128xf32, #tpu.memory_space<vmem>>) target(%dma_start3A_511 : memref<10112x128xf32, #tpu.memory_space<vmem_shared>>) offsets(%arg10 : memref<128xi32, #tpu.memory_space<vmem>>) semaphore(%arg17 : memref<!tpu.dma_semaphore, #tpu.memory_space<semaphore_mem>>) {add = true}
      %dma_wait3A_512 = arith.constant 0 : i32
      %dma_wait3A_513 = arith.constant 0 : i32
      %dma_wait3A_514 = tpu.memref_slice %arg2[%dma_wait3A_512, %dma_wait3A_513] : memref<10000x128xf32, #tpu.memory_space<hbm>> -> memref<10000x128xf32, #tpu.memory_space<hbm>>
      tpu.wait_indirect_dma semaphore(%arg14 : memref<!tpu.dma_semaphore, #tpu.memory_space<semaphore_mem>>) src(%dma_wait3A_514 : memref<10000x128xf32, #tpu.memory_space<hbm>>) dst(%arg11 : memref<128x128xf32, #tpu.memory_space<vmem>>)
      %dma_wait3A_515 = arith.constant 0 : i32
      %dma_wait3A_516 = arith.constant 0 : i32
      %dma_wait3A_517 = tpu.memref_slice %arg13[%dma_wait3A_515, %dma_wait3A_516] : memref<10112x128xf32, #tpu.memory_space<vmem_shared>> -> memref<10112x128xf32, #tpu.memory_space<vmem_shared>>
      tpu.wait_indirect_dma semaphore(%arg17 : memref<!tpu.dma_semaphore, #tpu.memory_space<semaphore_mem>>) src(%arg12 : memref<128x128xf32, #tpu.memory_space<vmem>>) dst(%dma_wait3A_517 : memref<10112x128xf32, #tpu.memory_space<vmem_shared>>)
      %add3A_518 = arith.constant 1 : i32
      %add3A_519 = arith.addi %mul3A_355, %add3A_518 : i32
      %get3A_520 = arith.index_cast %add3A_519 : i32 to index
      %get3A_521 = arith.constant 0 : index
      %get3A_522 = tpu.vector_load %arg6[%get3A_520, %get3A_521] {strides = array<i32>} : memref<80x128xi32, #tpu.memory_space<vmem>>, vector<1x16xi32>,
      %get3A_523 = vector.shape_cast %get3A_522 : vector<1x16xi32> to vector<16xi32>
      %and3A_524 = arith.constant 65535 : i32
      %and3A_525 = vector.broadcast %and3A_524 : i32 to vector<16xi32>
      %and3A_526 = arith.andi %get3A_523, %and3A_525 : vector<16xi32>
      %swap3A_527 = arith.constant 0 : index
      %swap3A_528 = tpu.vector_load %arg9[%swap3A_527] {strides = array<i32>} : memref<128xi32, #tpu.memory_space<vmem>>, vector<16xi32>,
      %swap3A_529 = vector.shape_cast %swap3A_528 : vector<16xi32> to vector<16xi32>
      %swap3A_530 = vector.shape_cast %and3A_526 : vector<16xi32> to vector<16xi32>
      tpu.vector_store %arg9[%swap3A_527], %swap3A_530 {strides = array<i32>} : memref<128xi32, #tpu.memory_space<vmem>>, vector<16xi32>,
      %shift_right_logical3A_531 = arith.constant 16 : i32
      %shift_right_logical3A_532 = vector.broadcast %shift_right_logical3A_531 : i32 to vector<16xi32>
      %shift_right_logical3A_533 = arith.shrui %get3A_523, %shift_right_logical3A_532 : vector<16xi32>
      %swap3A_534 = arith.constant 0 : index
      %swap3A_535 = tpu.vector_load %arg10[%swap3A_534] {strides = array<i32>} : memref<128xi32, #tpu.memory_space<vmem>>, vector<16xi32>,
      %swap3A_536 = vector.shape_cast %swap3A_535 : vector<16xi32> to vector<16xi32>
      %swap3A_537 = vector.shape_cast %shift_right_logical3A_533 : vector<16xi32> to vector<16xi32>
      tpu.vector_store %arg10[%swap3A_534], %swap3A_537 {strides = array<i32>} : memref<128xi32, #tpu.memory_space<vmem>>, vector<16xi32>,
      %get3A_538 = arith.index_cast %add3A_519 : i32 to index
      %get3A_539 = arith.constant 16 : index
      %get3A_540 = tpu.vector_load %arg6[%get3A_538, %get3A_539] {strides = array<i32>} : memref<80x128xi32, #tpu.memory_space<vmem>>, vector<1x16xi32>,
      %get3A_541 = vector.shape_cast %get3A_540 : vector<1x16xi32> to vector<16xi32>
      %and3A_542 = arith.constant 65535 : i32
      %and3A_543 = vector.broadcast %and3A_542 : i32 to vector<16xi32>
      %and3A_544 = arith.andi %get3A_541, %and3A_543 : vector<16xi32>
      %swap3A_545 = arith.constant 16 : index
      %swap3A_546 = tpu.vector_load %arg9[%swap3A_545] {strides = array<i32>} : memref<128xi32, #tpu.memory_space<vmem>>, vector<16xi32>,
      %swap3A_547 = vector.shape_cast %swap3A_546 : vector<16xi32> to vector<16xi32>
      %swap3A_548 = vector.shape_cast %and3A_544 : vector<16xi32> to vector<16xi32>
      tpu.vector_store %arg9[%swap3A_545], %swap3A_548 {strides = array<i32>} : memref<128xi32, #tpu.memory_space<vmem>>, vector<16xi32>,
      %shift_right_logical3A_549 = arith.constant 16 : i32
      %shift_right_logical3A_550 = vector.broadcast %shift_right_logical3A_549 : i32 to vector<16xi32>
      %shift_right_logical3A_551 = arith.shrui %get3A_541, %shift_right_logical3A_550 : vector<16xi32>
      %swap3A_552 = arith.constant 16 : index
      %swap3A_553 = tpu.vector_load %arg10[%swap3A_552] {strides = array<i32>} : memref<128xi32, #tpu.memory_space<vmem>>, vector<16xi32>,
      %swap3A_554 = vector.shape_cast %swap3A_553 : vector<16xi32> to vector<16xi32>
      %swap3A_555 = vector.shape_cast %shift_right_logical3A_551 : vector<16xi32> to vector<16xi32>
      tpu.vector_store %arg10[%swap3A_552], %swap3A_555 {strides = array<i32>} : memref<128xi32, #tpu.memory_space<vmem>>, vector<16xi32>,
      %get3A_556 = arith.index_cast %add3A_519 : i32 to index
      %get3A_557 = arith.constant 32 : index
      %get3A_558 = tpu.vector_load %arg6[%get3A_556, %get3A_557] {strides = array<i32>} : memref<80x128xi32, #tpu.memory_space<vmem>>, vector<1x16xi32>,
      %get3A_559 = vector.shape_cast %get3A_558 : vector<1x16xi32> to vector<16xi32>
      %and3A_560 = arith.constant 65535 : i32
      %and3A_561 = vector.broadcast %and3A_560 : i32 to vector<16xi32>
      %and3A_562 = arith.andi %get3A_559, %and3A_561 : vector<16xi32>
      %swap3A_563 = arith.constant 32 : index
      %swap3A_564 = tpu.vector_load %arg9[%swap3A_563] {strides = array<i32>} : memref<128xi32, #tpu.memory_space<vmem>>, vector<16xi32>,
      %swap3A_565 = vector.shape_cast %swap3A_564 : vector<16xi32> to vector<16xi32>
      %swap3A_566 = vector.shape_cast %and3A_562 : vector<16xi32> to vector<16xi32>
      tpu.vector_store %arg9[%swap3A_563], %swap3A_566 {strides = array<i32>} : memref<128xi32, #tpu.memory_space<vmem>>, vector<16xi32>,
      %shift_right_logical3A_567 = arith.constant 16 : i32
      %shift_right_logical3A_568 = vector.broadcast %shift_right_logical3A_567 : i32 to vector<16xi32>
      %shift_right_logical3A_569 = arith.shrui %get3A_559, %shift_right_logical3A_568 : vector<16xi32>
      %swap3A_570 = arith.constant 32 : index
      %swap3A_571 = tpu.vector_load %arg10[%swap3A_570] {strides = array<i32>} : memref<128xi32, #tpu.memory_space<vmem>>, vector<16xi32>,
      %swap3A_572 = vector.shape_cast %swap3A_571 : vector<16xi32> to vector<16xi32>
      %swap3A_573 = vector.shape_cast %shift_right_logical3A_569 : vector<16xi32> to vector<16xi32>
      tpu.vector_store %arg10[%swap3A_570], %swap3A_573 {strides = array<i32>} : memref<128xi32, #tpu.memory_space<vmem>>, vector<16xi32>,
      %get3A_574 = arith.index_cast %add3A_519 : i32 to index
      %get3A_575 = arith.constant 48 : index
      %get3A_576 = tpu.vector_load %arg6[%get3A_574, %get3A_575] {strides = array<i32>} : memref<80x128xi32, #tpu.memory_space<vmem>>, vector<1x16xi32>,
      %get3A_577 = vector.shape_cast %get3A_576 : vector<1x16xi32> to vector<16xi32>
      %and3A_578 = arith.constant 65535 : i32
      %and3A_579 = vector.broadcast %and3A_578 : i32 to vector<16xi32>
      %and3A_580 = arith.andi %get3A_577, %and3A_579 : vector<16xi32>
      %swap3A_581 = arith.constant 48 : index
      %swap3A_582 = tpu.vector_load %arg9[%swap3A_581] {strides = array<i32>} : memref<128xi32, #tpu.memory_space<vmem>>, vector<16xi32>,
      %swap3A_583 = vector.shape_cast %swap3A_582 : vector<16xi32> to vector<16xi32>
      %swap3A_584 = vector.shape_cast %and3A_580 : vector<16xi32> to vector<16xi32>
      tpu.vector_store %arg9[%swap3A_581], %swap3A_584 {strides = array<i32>} : memref<128xi32, #tpu.memory_space<vmem>>, vector<16xi32>,
      %shift_right_logical3A_585 = arith.constant 16 : i32
      %shift_right_logical3A_586 = vector.broadcast %shift_right_logical3A_585 : i32 to vector<16xi32>
      %shift_right_logical3A_587 = arith.shrui %get3A_577, %shift_right_logical3A_586 : vector<16xi32>
      %swap3A_588 = arith.constant 48 : index
      %swap3A_589 = tpu.vector_load %arg10[%swap3A_588] {strides = array<i32>} : memref<128xi32, #tpu.memory_space<vmem>>, vector<16xi32>,
      %swap3A_590 = vector.shape_cast %swap3A_589 : vector<16xi32> to vector<16xi32>
      %swap3A_591 = vector.shape_cast %shift_right_logical3A_587 : vector<16xi32> to vector<16xi32>
      tpu.vector_store %arg10[%swap3A_588], %swap3A_591 {strides = array<i32>} : memref<128xi32, #tpu.memory_space<vmem>>, vector<16xi32>,
      %get3A_592 = arith.index_cast %add3A_519 : i32 to index
      %get3A_593 = arith.constant 64 : index
      %get3A_594 = tpu.vector_load %arg6[%get3A_592, %get3A_593] {strides = array<i32>} : memref<80x128xi32, #tpu.memory_space<vmem>>, vector<1x16xi32>,
      %get3A_595 = vector.shape_cast %get3A_594 : vector<1x16xi32> to vector<16xi32>
      %and3A_596 = arith.constant 65535 : i32
      %and3A_597 = vector.broadcast %and3A_596 : i32 to vector<16xi32>
      %and3A_598 = arith.andi %get3A_595, %and3A_597 : vector<16xi32>
      %swap3A_599 = arith.constant 64 : index
      %swap3A_600 = tpu.vector_load %arg9[%swap3A_599] {strides = array<i32>} : memref<128xi32, #tpu.memory_space<vmem>>, vector<16xi32>,
      %swap3A_601 = vector.shape_cast %swap3A_600 : vector<16xi32> to vector<16xi32>
      %swap3A_602 = vector.shape_cast %and3A_598 : vector<16xi32> to vector<16xi32>
      tpu.vector_store %arg9[%swap3A_599], %swap3A_602 {strides = array<i32>} : memref<128xi32, #tpu.memory_space<vmem>>, vector<16xi32>,
      %shift_right_logical3A_603 = arith.constant 16 : i32
      %shift_right_logical3A_604 = vector.broadcast %shift_right_logical3A_603 : i32 to vector<16xi32>
      %shift_right_logical3A_605 = arith.shrui %get3A_595, %shift_right_logical3A_604 : vector<16xi32>
      %swap3A_606 = arith.constant 64 : index
      %swap3A_607 = tpu.vector_load %arg10[%swap3A_606] {strides = array<i32>} : memref<128xi32, #tpu.memory_space<vmem>>, vector<16xi32>,
      %swap3A_608 = vector.shape_cast %swap3A_607 : vector<16xi32> to vector<16xi32>
      %swap3A_609 = vector.shape_cast %shift_right_logical3A_605 : vector<16xi32> to vector<16xi32>
      tpu.vector_store %arg10[%swap3A_606], %swap3A_609 {strides = array<i32>} : memref<128xi32, #tpu.memory_space<vmem>>, vector<16xi32>,
      %get3A_610 = arith.index_cast %add3A_519 : i32 to index
      %get3A_611 = arith.constant 80 : index
      %get3A_612 = tpu.vector_load %arg6[%get3A_610, %get3A_611] {strides = array<i32>} : memref<80x128xi32, #tpu.memory_space<vmem>>, vector<1x16xi32>,
      %get3A_613 = vector.shape_cast %get3A_612 : vector<1x16xi32> to vector<16xi32>
      %and3A_614 = arith.constant 65535 : i32
      %and3A_615 = vector.broadcast %and3A_614 : i32 to vector<16xi32>
      %and3A_616 = arith.andi %get3A_613, %and3A_615 : vector<16xi32>
      %swap3A_617 = arith.constant 80 : index
      %swap3A_618 = tpu.vector_load %arg9[%swap3A_617] {strides = array<i32>} : memref<128xi32, #tpu.memory_space<vmem>>, vector<16xi32>,
      %swap3A_619 = vector.shape_cast %swap3A_618 : vector<16xi32> to vector<16xi32>
      %swap3A_620 = vector.shape_cast %and3A_616 : vector<16xi32> to vector<16xi32>
      tpu.vector_store %arg9[%swap3A_617], %swap3A_620 {strides = array<i32>} : memref<128xi32, #tpu.memory_space<vmem>>, vector<16xi32>,
      %shift_right_logical3A_621 = arith.constant 16 : i32
      %shift_right_logical3A_622 = vector.broadcast %shift_right_logical3A_621 : i32 to vector<16xi32>
      %shift_right_logical3A_623 = arith.shrui %get3A_613, %shift_right_logical3A_622 : vector<16xi32>
      %swap3A_624 = arith.constant 80 : index
      %swap3A_625 = tpu.vector_load %arg10[%swap3A_624] {strides = array<i32>} : memref<128xi32, #tpu.memory_space<vmem>>, vector<16xi32>,
      %swap3A_626 = vector.shape_cast %swap3A_625 : vector<16xi32> to vector<16xi32>
      %swap3A_627 = vector.shape_cast %shift_right_logical3A_623 : vector<16xi32> to vector<16xi32>
      tpu.vector_store %arg10[%swap3A_624], %swap3A_627 {strides = array<i32>} : memref<128xi32, #tpu.memory_space<vmem>>, vector<16xi32>,
      %get3A_628 = arith.index_cast %add3A_519 : i32 to index
      %get3A_629 = arith.constant 96 : index
      %get3A_630 = tpu.vector_load %arg6[%get3A_628, %get3A_629] {strides = array<i32>} : memref<80x128xi32, #tpu.memory_space<vmem>>, vector<1x16xi32>,
      %get3A_631 = vector.shape_cast %get3A_630 : vector<1x16xi32> to vector<16xi32>
      %and3A_632 = arith.constant 65535 : i32
      %and3A_633 = vector.broadcast %and3A_632 : i32 to vector<16xi32>
      %and3A_634 = arith.andi %get3A_631, %and3A_633 : vector<16xi32>
      %swap3A_635 = arith.constant 96 : index
      %swap3A_636 = tpu.vector_load %arg9[%swap3A_635] {strides = array<i32>} : memref<128xi32, #tpu.memory_space<vmem>>, vector<16xi32>,
      %swap3A_637 = vector.shape_cast %swap3A_636 : vector<16xi32> to vector<16xi32>
      %swap3A_638 = vector.shape_cast %and3A_634 : vector<16xi32> to vector<16xi32>
      tpu.vector_store %arg9[%swap3A_635], %swap3A_638 {strides = array<i32>} : memref<128xi32, #tpu.memory_space<vmem>>, vector<16xi32>,
      %shift_right_logical3A_639 = arith.constant 16 : i32
      %shift_right_logical3A_640 = vector.broadcast %shift_right_logical3A_639 : i32 to vector<16xi32>
      %shift_right_logical3A_641 = arith.shrui %get3A_631, %shift_right_logical3A_640 : vector<16xi32>
      %swap3A_642 = arith.constant 96 : index
      %swap3A_643 = tpu.vector_load %arg10[%swap3A_642] {strides = array<i32>} : memref<128xi32, #tpu.memory_space<vmem>>, vector<16xi32>,
      %swap3A_644 = vector.shape_cast %swap3A_643 : vector<16xi32> to vector<16xi32>
      %swap3A_645 = vector.shape_cast %shift_right_logical3A_641 : vector<16xi32> to vector<16xi32>
      tpu.vector_store %arg10[%swap3A_642], %swap3A_645 {strides = array<i32>} : memref<128xi32, #tpu.memory_space<vmem>>, vector<16xi32>,
      %get3A_646 = arith.index_cast %add3A_519 : i32 to index
      %get3A_647 = arith.constant 112 : index
      %get3A_648 = tpu.vector_load %arg6[%get3A_646, %get3A_647] {strides = array<i32>} : memref<80x128xi32, #tpu.memory_space<vmem>>, vector<1x16xi32>,
      %get3A_649 = vector.shape_cast %get3A_648 : vector<1x16xi32> to vector<16xi32>
      %and3A_650 = arith.constant 65535 : i32
      %and3A_651 = vector.broadcast %and3A_650 : i32 to vector<16xi32>
      %and3A_652 = arith.andi %get3A_649, %and3A_651 : vector<16xi32>
      %swap3A_653 = arith.constant 112 : index
      %swap3A_654 = tpu.vector_load %arg9[%swap3A_653] {strides = array<i32>} : memref<128xi32, #tpu.memory_space<vmem>>, vector<16xi32>,
      %swap3A_655 = vector.shape_cast %swap3A_654 : vector<16xi32> to vector<16xi32>
      %swap3A_656 = vector.shape_cast %and3A_652 : vector<16xi32> to vector<16xi32>
      tpu.vector_store %arg9[%swap3A_653], %swap3A_656 {strides = array<i32>} : memref<128xi32, #tpu.memory_space<vmem>>, vector<16xi32>,
      %shift_right_logical3A_657 = arith.constant 16 : i32
      %shift_right_logical3A_658 = vector.broadcast %shift_right_logical3A_657 : i32 to vector<16xi32>
      %shift_right_logical3A_659 = arith.shrui %get3A_649, %shift_right_logical3A_658 : vector<16xi32>
      %swap3A_660 = arith.constant 112 : index
      %swap3A_661 = tpu.vector_load %arg10[%swap3A_660] {strides = array<i32>} : memref<128xi32, #tpu.memory_space<vmem>>, vector<16xi32>,
      %swap3A_662 = vector.shape_cast %swap3A_661 : vector<16xi32> to vector<16xi32>
      %swap3A_663 = vector.shape_cast %shift_right_logical3A_659 : vector<16xi32> to vector<16xi32>
      tpu.vector_store %arg10[%swap3A_660], %swap3A_663 {strides = array<i32>} : memref<128xi32, #tpu.memory_space<vmem>>, vector<16xi32>,
      %dma_start3A_664 = arith.constant 0 : i32
      %dma_start3A_665 = arith.constant 0 : i32
      %dma_start3A_666 = tpu.memref_slice %arg2[%dma_start3A_664, %dma_start3A_665] : memref<10000x128xf32, #tpu.memory_space<hbm>> -> memref<10000x128xf32, #tpu.memory_space<hbm>>
      tpu.enqueue_indirect_dma source(%dma_start3A_666 : memref<10000x128xf32, #tpu.memory_space<hbm>>) target(%arg12 : memref<128x128xf32, #tpu.memory_space<vmem>>) offsets(%arg9 : memref<128xi32, #tpu.memory_space<vmem>>) semaphore(%arg15 : memref<!tpu.dma_semaphore, #tpu.memory_space<semaphore_mem>>)
      %dma_start3A_667 = arith.constant 0 : i32
      %dma_start3A_668 = arith.constant 0 : i32
      %dma_start3A_669 = tpu.memref_slice %arg13[%dma_start3A_667, %dma_start3A_668] : memref<10112x128xf32, #tpu.memory_space<vmem_shared>> -> memref<10112x128xf32, #tpu.memory_space<vmem_shared>>
      tpu.enqueue_indirect_dma source(%arg11 : memref<128x128xf32, #tpu.memory_space<vmem>>) target(%dma_start3A_669 : memref<10112x128xf32, #tpu.memory_space<vmem_shared>>) offsets(%arg8 : memref<128xi32, #tpu.memory_space<vmem>>) semaphore(%arg16 : memref<!tpu.dma_semaphore, #tpu.memory_space<semaphore_mem>>) {add = true}
    }
    %scan3A_335 = arith.constant 39 : i32
    %dma_wait3A_336 = arith.constant 0 : i32
    %dma_wait3A_337 = arith.constant 0 : i32
    %dma_wait3A_338 = tpu.memref_slice %arg2[%dma_wait3A_336, %dma_wait3A_337] : memref<10000x128xf32, #tpu.memory_space<hbm>> -> memref<10000x128xf32, #tpu.memory_space<hbm>>
    tpu.wait_indirect_dma semaphore(%arg15 : memref<!tpu.dma_semaphore, #tpu.memory_space<semaphore_mem>>) src(%dma_wait3A_338 : memref<10000x128xf32, #tpu.memory_space<hbm>>) dst(%arg12 : memref<128x128xf32, #tpu.memory_space<vmem>>)
    %dma_wait3A_339 = arith.constant 0 : i32
    %dma_wait3A_340 = arith.constant 0 : i32
    %dma_wait3A_341 = tpu.memref_slice %arg13[%dma_wait3A_339, %dma_wait3A_340] : memref<10112x128xf32, #tpu.memory_space<vmem_shared>> -> memref<10112x128xf32, #tpu.memory_space<vmem_shared>>
    tpu.wait_indirect_dma semaphore(%arg16 : memref<!tpu.dma_semaphore, #tpu.memory_space<semaphore_mem>>) src(%arg11 : memref<128x128xf32, #tpu.memory_space<vmem>>) dst(%dma_wait3A_341 : memref<10112x128xf32, #tpu.memory_space<vmem_shared>>)
    %dma_start3A_342 = arith.constant 0 : i32
    %dma_start3A_343 = arith.constant 0 : i32
    %dma_start3A_344 = tpu.memref_slice %arg13[%dma_start3A_342, %dma_start3A_343] : memref<10112x128xf32, #tpu.memory_space<vmem_shared>> -> memref<10112x128xf32, #tpu.memory_space<vmem_shared>>
    tpu.enqueue_indirect_dma source(%arg12 : memref<128x128xf32, #tpu.memory_space<vmem>>) target(%dma_start3A_344 : memref<10112x128xf32, #tpu.memory_space<vmem_shared>>) offsets(%arg10 : memref<128xi32, #tpu.memory_space<vmem>>) semaphore(%arg17 : memref<!tpu.dma_semaphore, #tpu.memory_space<semaphore_mem>>) {add = true}
    %dma_wait3A_345 = arith.constant 0 : i32
    %dma_wait3A_346 = arith.constant 0 : i32
    %dma_wait3A_347 = tpu.memref_slice %arg13[%dma_wait3A_345, %dma_wait3A_346] : memref<10112x128xf32, #tpu.memory_space<vmem_shared>> -> memref<10112x128xf32, #tpu.memory_space<vmem_shared>>
    tpu.wait_indirect_dma semaphore(%arg17 : memref<!tpu.dma_semaphore, #tpu.memory_space<semaphore_mem>>) src(%arg12 : memref<128x128xf32, #tpu.memory_space<vmem>>) dst(%dma_wait3A_347 : memref<10112x128xf32, #tpu.memory_space<vmem_shared>>)
    %barrier3A_348 = arith.constant 0 : index
    tpu.barrier barrier_id(%barrier3A_348)
    "tpu.trace_stop"() : () -> ()
    "tpu.trace_start"() <{level = 10 : i32, message = "agg_writeout"}> : () -> ()
    %mul3A_349 = arith.constant 632 : i32
    %mul3A_350 = arith.muli %arg1, %mul3A_349 : i32
    %mul3A_351 = arith.constant 632 : i32
    %mul3A_352 = arith.muli %arg1, %mul3A_351 : i32
    "tpu.region"() ({
      %run_scoped3A = tpu.sem_alloc : memref<!tpu.dma_semaphore, #tpu.memory_space<semaphore_mem>>
      %dma_start3A_353 = arith.constant 0 : i32
      %dma_start3A_354 = tpu.memref_slice %arg5[%arg0, %mul3A_352, %dma_start3A_353] : memref<2x10112x128xf32, #tpu.memory_space<hbm>> -> memref<1x632x128xf32, #tpu.memory_space<hbm>>
      %dma_start3A_355 = tpu.memref_squeeze %dma_start3A_354 : memref<1x632x128xf32, #tpu.memory_space<hbm>> -> memref<632x128xf32, #tpu.memory_space<hbm>>
      %dma_start3A_356 = arith.constant 0 : i32
      %dma_start3A_357 = tpu.memref_slice %arg13[%mul3A_350, %dma_start3A_356] : memref<10112x128xf32, #tpu.memory_space<vmem_shared>> -> memref<632x128xf32, #tpu.memory_space<vmem_shared>>
      tpu.enqueue_dma source(%dma_start3A_357 : memref<632x128xf32, #tpu.memory_space<vmem_shared>>) target(%dma_start3A_355 : memref<632x128xf32, #tpu.memory_space<hbm>>) target_semaphore(%run_scoped3A : memref<!tpu.dma_semaphore, #tpu.memory_space<semaphore_mem>>)
      %dma_wait3A_358 = arith.constant 0 : i32
      %dma_wait3A_359 = tpu.memref_slice %arg5[%arg0, %mul3A_352, %dma_wait3A_358] : memref<2x10112x128xf32, #tpu.memory_space<hbm>> -> memref<1x632x128xf32, #tpu.memory_space<hbm>>
      %dma_wait3A_360 = tpu.memref_squeeze %dma_wait3A_359 : memref<1x632x128xf32, #tpu.memory_space<hbm>> -> memref<632x128xf32, #tpu.memory_space<hbm>>
      %dma_wait3A_361 = arith.constant 0 : i32
      %dma_wait3A_362 = tpu.memref_slice %arg13[%mul3A_350, %dma_wait3A_361] : memref<10112x128xf32, #tpu.memory_space<vmem_shared>> -> memref<632x128xf32, #tpu.memory_space<vmem_shared>>
      tpu.wait_dma2 semaphore(%run_scoped3A : memref<!tpu.dma_semaphore, #tpu.memory_space<semaphore_mem>>) src(%dma_wait3A_362 : memref<632x128xf32, #tpu.memory_space<vmem_shared>>) dst(%dma_wait3A_360 : memref<632x128xf32, #tpu.memory_space<hbm>>)
      tpu.yield
    }) : () -> ()
    "tpu.trace_stop"() : () -> ()
    return
  }
}

module attributes {stable_mosaic.version = 14 : i64} {
  func.func @_linear_relu_body(%arg0: i32, %arg1: memref<2x2000x128xf32, #tpu.memory_space<vmem>>, %arg2: memref<128x128xf32, #tpu.memory_space<vmem>>, %arg3: memref<1x128xf32, #tpu.memory_space<vmem>>, %arg4: memref<2000x128xf32, #tpu.memory_space<vmem>>) attributes {dimension_semantics = [#tpu.dimension_semantics<arbitrary>], iteration_bounds = array<i64: 5>, scalar_prefetch = 0 : i64, scratch_operands = 0 : i64, tpu.core_type = #tpu.core_type<tc>, window_params = [{transform_indices = @transform_0, window_bounds = array<i64: 2, 2000, 128>}, {pipeline_mode = #tpu.pipeline_mode<synchronous>, transform_indices = @transform_1, window_bounds = array<i64: 128, 128>}, {pipeline_mode = #tpu.pipeline_mode<synchronous>, transform_indices = @transform_2, window_bounds = array<i64: 1, 128>}, {transform_indices = @transform_3, window_bounds = array<i64: 2000, 128>}]} {
    %get3A = arith.constant 0 : index
    %get3A_0 = arith.constant 0 : index
    %get3A_1 = arith.constant 0 : index
    %get3A_2 = vector.load %arg1[%get3A, %get3A_0, %get3A_1] : memref<2x2000x128xf32, #tpu.memory_space<vmem>>, vector<1x2000x128xf32>
    %get3A_3 = vector.shape_cast %get3A_2 : vector<1x2000x128xf32> to vector<2000x128xf32>
    %get3A_4 = arith.constant 1 : index
    %get3A_5 = arith.constant 0 : index
    %get3A_6 = arith.constant 0 : index
    %get3A_7 = vector.load %arg1[%get3A_4, %get3A_5, %get3A_6] : memref<2x2000x128xf32, #tpu.memory_space<vmem>>, vector<1x2000x128xf32>
    %get3A_8 = vector.shape_cast %get3A_7 : vector<1x2000x128xf32> to vector<2000x128xf32>
    %add3A = arith.addf %get3A_3, %get3A_8 : vector<2000x128xf32>
    %get3A_9 = arith.constant 0 : index
    %get3A_10 = arith.constant 0 : index
    %get3A_11 = vector.load %arg2[%get3A_9, %get3A_10] : memref<128x128xf32, #tpu.memory_space<vmem>>, vector<128x128xf32>
    %dot_general3A = arith.constant dense<0.000000e+00> : vector<2000x128xf32>
    %dot_general3A_12 = tpu.matmul %add3A, %get3A_11, %dot_general3A {dimension_numbers = #tpu.dot_dimension_numbers<[1], [0], [0], [1], [0, 0, 1, 1], [], []>, transpose_lhs_hint = false} : vector<2000x128xf32>, vector<128x128xf32>, vector<2000x128xf32> -> vector<2000x128xf32>
    %get3A_13 = arith.constant 0 : index
    %get3A_14 = arith.constant 0 : index
    %get3A_15 = vector.load %arg3[%get3A_13, %get3A_14] : memref<1x128xf32, #tpu.memory_space<vmem>>, vector<1x128xf32>
    %add3A_16 = vector.broadcast %get3A_15 : vector<1x128xf32> to vector<2000x128xf32>
    %add3A_17 = arith.addf %dot_general3A_12, %add3A_16 : vector<2000x128xf32>
    %max3A = arith.constant 0.000000e+00 : f32
    %max3A_18 = vector.broadcast %max3A : f32 to vector<2000x128xf32>
    %max3A_19 = arith.maximumf %add3A_17, %max3A_18 : vector<2000x128xf32>
    %swap3A = arith.constant 0 : index
    %swap3A_20 = arith.constant 0 : index
    %swap3A_21 = vector.load %arg4[%swap3A, %swap3A_20] : memref<2000x128xf32, #tpu.memory_space<vmem>>, vector<2000x128xf32>
    tpu.vector_store %arg4[%swap3A, %swap3A_20], %max3A_19 {strides = array<i32>} : memref<2000x128xf32, #tpu.memory_space<vmem>>, vector<2000x128xf32>,
    return
  }
  func.func @transform_0(%arg0: i32) -> (i32, i32, i32) {
    %c0_i32 = arith.constant 0 : i32
    %c0_i32_0 = arith.constant 0 : i32
    %c0_i32_1 = arith.constant 0 : i32
    return %c0_i32, %arg0, %c0_i32_0 : i32, i32, i32
  }
  func.func @transform_1(%arg0: i32) -> (i32, i32) {
    %c0_i32 = arith.constant 0 : i32
    %c0_i32_0 = arith.constant 0 : i32
    %c0_i32_1 = arith.constant 0 : i32
    return %c0_i32, %c0_i32_0 : i32, i32
  }
  func.func @transform_2(%arg0: i32) -> (i32, i32) {
    %c0_i32 = arith.constant 0 : i32
    %c0_i32_0 = arith.constant 0 : i32
    %c0_i32_1 = arith.constant 0 : i32
    return %c0_i32, %c0_i32_0 : i32, i32
  }
  func.func @transform_3(%arg0: i32) -> (i32, i32) {
    %c0_i32 = arith.constant 0 : i32
    %c0_i32_0 = arith.constant 0 : i32
    return %arg0, %c0_i32 : i32, i32
  }
}

</mosaic_0001>

<sc_bundles>
// kernel: kernel.4.cloned.1.call-start
scs
__scs_entry_jumppad:
0x0: {  	(pc) =	sbr.rel $0x88, $3  }
0x1: {  	(tag) =	ssettag $0x0;
	lr =	simm.s32 $0x1  }
0x2: {  	[smem:$0x3F9D] =	sst lr;
	_ =	strace $0xD0000000  }
0x3: {  	_ = 	snop  }
0x4: {  	_ = 	snop  }
0x5: {  	_ = 	snop  }
0x6: {  	_ = 	snop  }
0x7: {  	_ = 	snop  }
__scs_overlays_trampoline_lowered:
0x8: {  	[smem:$0x3FAC] =	sst s0  }
0x9: {  	[smem:$0x3FAD] =	sst s1  }
0xa: {  	[smem:$0x3FAE] =	sst s2  }
0xb: {  	[smem:$0x3FAF] =	sst s3  }
0xc: {  	[smem:$0x3FB0] =	sst s4  }
0xd: {  	[smem:$0x3FB1] =	sst s5  }
0xe: {  	[smem:$0x3FB2] =	sst s6  }
0xf: {  	[smem:$0x3FB3] =	sst s7  }
0x10: {  	[smem:$0x3FB4] =	sst s8  }
0x11: {  	[smem:$0x3FB5] =	sst s9;
	s0 =	simm.s32 @!p0 $0x0  }
0x12: {  	s1 =	sld [smem:$0x3F9B];
	s0 =	simm.s32 @p0 $0x1  }
0x13: {  	[smem:$0x3FB6] =	sst s0;
	s0 =	simm.s32 @!p1 $0x0  }
0x14: {  	s2 =	sld [smem:$0x3F9A];
	s0 =	simm.s32 @p1 $0x1  }
0x15: {  	[smem:$0x3FB7] =	sst s0;
	s0 =	simm.s32 @!p2 $0x0  }
0x16: {  	s3 =	sld [smem:$0x3FDB];
	s0 =	simm.s32 @p2 $0x1  }
0x17: {  	s4 =	simm.s32 $0x1BF5;
	[smem:$0x3FB9] =	sst s0  }
0x18: {  	s0 =	sld [smem:$0x3F9C];
	_ =	swait.ge [sflag:s4], $0x0  }
0x19: {  	s7 =	sld [smem:$0x3F9D]  }
0x1a: {  	s8 =	sadd.s32 $0xFFFFE003, lr  }
0x1b: {  	s9 =	sadd.s32 $0xFFFFFEF7, lr;
	s5 =	simm.s32 $0xFFFFFFFF;
	p2 =	slt.u32 s8, $0xFFFFF086  }
0x1c: {  	p1 =	slt.u32 s9, $0xF7A;
	s5 =	simm.s32 @!p2 $0x0  }
0x1d: {  	s5 =	simm.s32 @p1 $0x1;
	p0 =	seq.s32 s7, s2  }
0x1e: {  	s7 =	smul.u32 @!p0 $0xF7A, s2;
	p2 =	seq.s32 @!p0 s5, $0x0  }
0x1f: {  	s9 =	smul.u32 $0xF7A, s1;
	s8 =	simm.s32 @!p0 $0x1BF5;
	p2 =	por !p2, p0  }
0x20: {  	[sflag:s8] =	ssyncset.s32 @!p0 $0xFFFFF086;
	s6 =	sadd.s32 @!p0 s3, s7;
	s7 =	simm.s32 @!p0 $0x108  }
0x21: {  	s3 =	sadd.s32 s3, s9;
	s6 =	sadd.s32 @!p0 $0x88, s6;
	s7 =	simm.s32 @p2 $0x1082  }
0x22: {  	[simem:s7], [sflag:s8] =	dma.local @!p0 [hbm:s6], $0xF7A  }
0x23: {  	s9 =	sor.u32 $0xD0000000, s2;
	s6 =	simm.s32 $0x108;
	_ =	swait.ge @!p0 [sflag:s8], $0x0  }
0x24: {  	s3 =	sadd.s32 $0x88, s3;
	s6 =	simm.s32 @!p1 $0x1082;
	[sflag:s4] =	ssyncset.s32 $0xFFFFF086  }
0x25: {  	[simem:s6], [sflag:s4] =	dma.local [hbm:s3], $0xF7A  }
0x26: {  	[smem:$0x3F9D] =	sst s1;
	(tag) =	ssettag s2;
	_ =	strace s9  }
0x27: {  	s1 =	sld [smem:$0x3FAD]  }
0x28: {  	s2 =	sld [smem:$0x3FAE]  }
0x29: {  	s4 =	sld [smem:$0x3FB0]  }
0x2a: {  	p0 =	seq.s32 s5, $0x0;
	s5 =	sld [smem:$0x3FB1]  }
0x2b: {  	s6 =	sld [smem:$0x3FB2]  }
0x2c: {  	s7 =	sld [smem:$0x3FB3]  }
0x2d: {  	s3 =	simm.s32 $0x108;
	s8 =	sld [smem:$0x3FB4]  }
0x2e: {  	s3 =	simm.s32 @!p0 $0x1082;
	s9 =	sld [smem:$0x3FB5]  }
0x2f: {  	lr =	sadd.s32 s0, s3;
	s0 =	sld [smem:$0x3FAC]  }
0x30: {  	s3 =	sld [smem:$0x3FAF]  }
0x31: {  	[smem:$0x3FB8] =	sst s10  }
0x32: {  	s10 =	sld [smem:$0x3FB6];
	_ =	sdelay $0x3  }
0x33: {  	p0 =	seq.s32 s10, $0x1;
	s10 =	sld [smem:$0x3FB8];
	_ =	sdelay $0x3  }
0x34: {  	[smem:$0x3FB8] =	sst s10  }
0x35: {  	s10 =	sld [smem:$0x3FB7];
	_ =	sdelay $0x3  }
0x36: {  	p1 =	seq.s32 s10, $0x1;
	s10 =	sld [smem:$0x3FB8];
	_ =	sdelay $0x3  }
0x37: {  	[smem:$0x3FB8] =	sst s10  }
0x38: {  	s10 =	sld [smem:$0x3FB9]  }
0x39: {  	_ = 	snop;
	(pc) =	sbr.ind lr, $3  }
0x3a: {  	_ = 	snop  }
0x3b: {  	_ = 	snop  }
0x3c: {  	p2 =	seq.s32 s10, $0x1;
	s10 =	sld [smem:$0x3FB8]  }
0x3d: {  	_ =	shalt  }
0x3e: {  	_ =	shalt  }
0x3f: {  	_ =	shalt  }
0x40: {  	_ =	shalt  }
0x41: {  	_ =	shalt  }
0x42: {  	_ =	shalt  }
0x43: {  	_ =	shalt  }
0x44: {  	_ =	shalt  }
0x45: {  	_ =	shalt  }
0x46: {  	_ =	shalt  }
0x47: {  	_ =	shalt  }
0x48: {  	_ =	shalt  }
0x49: {  	_ =	shalt  }
0x4a: {  	_ =	shalt  }
0x4b: {  	_ =	shalt  }
0x4c: {  	_ =	shalt  }
0x4d: {  	_ =	shalt  }
0x4e: {  	_ =	shalt  }
0x4f: {  	_ =	shalt  }
0x50: {  	_ =	shalt  }
0x51: {  	_ =	shalt  }
0x52: {  	_ =	shalt  }
0x53: {  	_ =	shalt  }
0x54: {  	_ =	shalt  }
0x55: {  	_ =	shalt  }
0x56: {  	_ =	shalt  }
0x57: {  	_ =	shalt  }
0x58: {  	_ =	shalt  }
0x59: {  	_ =	shalt  }
0x5a: {  	_ =	shalt  }
0x5b: {  	_ =	shalt  }
0x5c: {  	_ =	shalt  }
0x5d: {  	_ =	shalt  }
0x5e: {  	_ =	shalt  }
0x5f: {  	_ =	shalt  }
0x60: {  	_ =	shalt  }
0x61: {  	_ =	shalt  }
0x62: {  	_ =	shalt  }
0x63: {  	_ =	shalt  }
0x64: {  	_ =	shalt  }
0x65: {  	_ =	shalt  }
0x66: {  	_ =	shalt  }
0x67: {  	_ =	shalt  }
0x68: {  	_ =	shalt  }
0x69: {  	_ =	shalt  }
0x6a: {  	_ =	shalt  }
0x6b: {  	_ =	shalt  }
0x6c: {  	_ =	shalt  }
0x6d: {  	_ =	shalt  }
0x6e: {  	_ =	shalt  }
0x6f: {  	_ =	shalt  }
0x70: {  	_ =	shalt  }
0x71: {  	_ =	shalt  }
0x72: {  	_ =	shalt  }
0x73: {  	_ =	shalt  }
0x74: {  	_ =	shalt  }
0x75: {  	_ =	shalt  }
0x76: {  	_ =	shalt  }
0x77: {  	_ =	shalt  }
0x78: {  	_ =	shalt  }
0x79: {  	_ =	shalt  }
0x7a: {  	_ =	shalt  }
0x7b: {  	_ =	shalt  }
0x7c: {  	_ =	shalt  }
0x7d: {  	_ =	shalt  }
0x7e: {  	_ =	shalt  }
0x7f: {  	_ =	shalt  }
0x80: {  	_ =	shalt  }
0x81: {  	_ =	shalt  }
0x82: {  	_ =	shalt  }
0x83: {  	_ =	shalt  }
0x84: {  	_ =	shalt  }
0x85: {  	_ =	shalt  }
0x86: {  	_ =	shalt  }
0x87: {  	_ =	shalt  }
.Lfunc_end0:
.L_simem_size_0:
called_computation_lowered:
.L_overlay_start_0:
0x88: {  	s2 =	sld [smem:$0x3FD9]  }
0x89: {  	s3 =	sld [smem:$0x3FFE];
	_ =	sdelay $0x1  }
0x8a: {  	s1 =	srdreg.scid  }
0x8b: {  	s0 =	sand.u32 $0x1, s1  }
0x8c: {  	s17 =	sshll.u32 s0, $0xA;
	s2 =	sadd.s32 s3, s2  }
0x8d: {  	s2 =	sadd.s32 s2, s17  }
0x8e: {  	[smem:$0x3FC4] =	sst s2  }
0x8f: {  	_ = 	snop  }
0x90: {  	s2 =	sld [smem:$0x3FC9]  }
0x91: {  	s18 =	sld [smem:$0x3FD0];
	(tm) =	ssettm $0x1  }
0x92: {  	s4 =	sld [smem:$0x3FFB];
	_ =	sdelay $0x3  }
0x93: {  	_ =	strace s4  }
0x94: {  	s4 =	sld [smem:$0x3FFC];
	_ =	sdelay $0x3  }
0x95: {  	_ =	strace s4  }
0x96: {  	s4 =	sld [smem:$0x3FFD];
	_ =	sdelay $0x3  }
0x97: {  	_ =	strace s4  }
0x98: {  	_ =	strace $0x8FFFFFFF  }
0x99: {  	s19 =	sld [smem:$0x3FDB];
	_ =	sdelay $0x1  }
0x9a: {  	s5 =	simm.s32 $_scs_section_size  }
0x9b: {  	s6 =	simm.s32 $_size__tile_overlayer_lowered;
	s7 =	simm.s32 $_tile_overlayer_lowered  }
0x9c: {  	s22 =	simm.s32 $0x1BFF;
	s21 =	sshll.u32 s7, $0x1;
	s4 =	sadd.s32 s5, s19  }
0x9d: {  	s8 =	simm.s32 $0x0;
	s20 =	sshll.u32 s6, $0x1;
	s6 =	sadd.s32 s21, s4  }
0x9e: {  	[timem:s8], [sflag:s22] =	dma.local [hbm:s6], s20  }
0x9f: {  	_ =	swait.ge [sflag:s22], s20  }
0xa0: {  	s5 =	ssub.s32 $0x0, s20;
	[sflag:s22] =	ssyncset.done $0x0  }
0xa1: {  	[sflag:s22] =	ssyncadd.s32 s5;
	_ =	sdelay $0x1  }
0xa2: {  	s23 =	simm.s32 $0x1B8B  }
0xa3: {  	_ =	swait.ge [sflag:s23], $0x1  }
0xa4: {  	[sflag:s23] =	ssyncset.done $0x0  }
0xa5: {  	s25 =	simm.s32 $0x1B8E;
	s24 =	sld [smem:$0x3FFE];
	[sflag:s23] =	ssyncadd.s32 $0xFFFFFFFF  }
0xa6: {  	s26 =	simm.s32 $execute0_lowered;
	[smem:$0x3FD2] =	sst s25  }
0xa7: {  	s6 =	sshll.u32 s26, $0x1;
	_ =	strace $0x80000046;
	[dreg:$0x1] =	wrdreg $0xFFFFFFFF  }
0xa8: {  	s28 =	simm.s32 $_size_execute0_lowered;
	s4 =	sadd.s32 s4, s6;
	[dreg:$0x0] =	wrdreg $0x0  }
0xa9: {  	s6 =	sshll.u32 s28, $0x1;
	[dreg:$0x2] =	wrdreg s4  }
0xaa: {  	[dreg:$0x3] =	wrdreg s6  }
0xab: {  	[dreg:$0x4] =	wrdreg $0xC0  }
0xac: {  	_ =	task [dreg:s8], $0x5FFFF  }
0xad: {  	[dreg:$0x1] =	wrdreg $0xFFFFFFFF  }
0xae: {  	[dreg:$0x0] =	wrdreg $0x60  }
0xaf: {  	[dreg:$0x2] =	wrdreg s2  }
0xb0: {  	[dreg:$0x3] =	wrdreg s18  }
0xb1: {  	[dreg:$0x4] =	wrdreg s24  }
0xb2: {  	[dreg:$0x5] =	wrdreg $0xAA000  }
0xb3: {  	[dreg:$0x6] =	wrdreg $0x9  }
0xb4: {  	_ =	task.clear_ibuf [dreg:s8], $0x7FFFF;
	_ =	strace $0x90000046  }
0xb5: {  	s29 =	simm.s32 $0x9;
	_ =	strace $0x8000004B  }
0xb6: {  	_ =	swait.ge [sflag:s29], $0x1  }
0xb7: {  	[sflag:s29] =	ssyncadd.s32 $0xFFFFFFFF  }
0xb8: {  	_ =	strace $0x9000004B  }
0xb9: {  	_ =	sfence  }
0xba: {  	s30 =	sld [smem:$0x0];
	_ =	sdelay $0x2  }
0xbb: {  	s31 =	sshll.u32 s1, $0xD;
	s1 =	sshrl.u32 s1, $0x2  }
0xbc: {  	s3 =	sand.u32 $0x4000, s31;
	s1 =	sadd.s32 s1, s30  }
0xbd: {  	s0 =	sor.u32 s3, s0;
	s1 =	sshll.u32 s1, $0x11  }
0xbe: {  	s0 =	sor.u32 s1, s0  }
0xbf: {  	s0 =	sadd.s32 $0x8F2B, s0  }
0xc0: {  	[sflag:s0] =	ssyncadd.remote.s32 $0x1  }
0xc1: {  	_ =	sfence.sel $0xFFFF  }
0xc2: {  	[dreg:$0x0] =	wrdreg $0xFFFFFFFF;
	(pc) =	sbr.abs _section_cstart, $3  }
0xc3: {  	[dreg:$0x1] =	wrdreg $0xFFFFFFFF  }
0xc4: {  	_ =	task.clear_ibuf [dreg:s8], $0x2FFFF;
	_ =	strace $0x9FFFFFFF  }
0xc5: {  	(tm) =	ssettm $0x7FFFFFFF  }
tec
execute0_lowered:
.L_overlay_start_1:
0x0: {  	(tag) =	ssettag $0x1  }
0x1: {  	s1 =	rddreg [dreg:$0x0]  }
0x2: {  	s5 =	rddreg [dreg:$0x1]  }
0x3: {  	s6 =	rddreg [dreg:$0x2]  }
0x4: {  	s3 =	rddreg [dreg:$0x3]  }
0x5: {  	s0 =	rddreg [dreg:$0x4]  }
0x6: {  	s2 =	stileid.u32;
	s7 =	srdreg.scid;
	s4 =	simm.s32 $0x0  }
0x7: {  	s13 =	simm.s32 $0x80;
	s14 =	simm.s32 $0x2800;
	s15 =	simm.s32 $0x2A00  }
0x8: {  	s16 =	simm.s32 $0x2900;
	s17 =	simm.s32 $0x6A00;
	s18 =	simm.s32 $0x2880  }
0x9: {  	s19 =	simm.s32 $0x2;
	s20 =	simm.s32 $0x3;
	s21 =	simm.s32 $0x2980  }
0xa: {  	s22 =	simm.s32 $0x4;
	s23 =	simm.s32 $0x0;
	s8 =	smul.u32 $0x13C00, s2  }
0xb: {  	s7 =	sand.u32 $0x1, s7;
	[smem:$0x7FF] =	sst s4;
	s28 =	smul.u32 $0x4F000, s2  }
0xc: {  	s26 =	sshll.u32 s2, $0x1;
	s31 =	sshll.u32 s2, $0x6;
	s9 =	smul.u32 $0x13C000, s7  }
0xd: {  	_ =	strace $0x80000047;
	s11 =	ssub.s32 $0x2, s7;
	s7 =	sor.u32 s7, s26  }
0xe: {  	s10 =	sshrl.u32 s8, $0x3;
	s12 =	sshrl.u32 s11, $0x1;
	s7 =	smul.u32 $0x500, s7  }
0xf: {  	s29 =	sshrl.u32 s28, $0x2;
	s10 =	sadd.s32 s10, s6;
	s8 =	sadd.s32 s8, s9  }
0x10: {  	s11 =	ssub.s32 s11, s12;
	s30 =	sadd.s32 s29, s3;
	s9 =	sor.u32 $0x1C05, s31  }
0x11: {  	s12 =	simm.s32 $0x1;
	s8 =	sshrl.u32 s8, $0x3;
	s5 =	sadd.s32 s5, s7  }
0x12: {  	s8 =	sadd.s32 s8, s6;
	s6 =	sadd.s32 $0x400, s10;
	s10 =	sshrl.u32 s30, $0x3  }
0x13: {  	s7 =	sadd.s32 $0x27C00, s8;
	s8 =	smax.u32 s11, $0x1;
	s11 =	simm.s32 $0x5  }
.LBB2_1:
0x14: {  	_ =	strace $0x80000048  }
0x15: {  	[tilespmem:s4], [sflag:$0x1] =	stream.linear.gather [hbm4b:s5+s4], $0x2800, $0x200038;
	[tilespmem:$0x1E600] =	vst v63  }
0x16: {  	[spmem:s10], [sflag:s9] =	dma.local [hbm:s6], $0x2780  }
0x17: {  	_ =	swait.ge [sflag:s11], $0x2780  }
0x18: {  	[sflag:s11] =	ssyncset.done $0x0  }
0x19: {  	[sflag:s11] =	ssyncadd.s32 $0xFFFFD880  }
0x1a: {  	_ =	swait.ge [sflag:s12], $0x2800  }
0x1b: {  	[sflag:s12] =	ssyncset.done $0x0  }
0x1c: {  	[sflag:s12] =	ssyncadd.s32 $0xFFFFD800  }
0x1d: {  	[bflag:$0x0] =	sbarrier.arrive $0xFFFF  }
0x1e: {  	_ =	strace $0x90000048  }
0x1f: {  	_ =	strace $0x80000049  }
0x20: {  	v0 =	vld [tilespmem:$0x0];
	_ =	sdelay $0x1  }
0x21: {  	v1 =	vld [tilespmem:$0x10];
	_ =	sdelay $0x1  }
0x22: {  	v2 =	vld [tilespmem:$0x20]  }
0x23: {  	v3 =	vand.u32 $0xFFFF, v0  }
0x24: {  	v0 =	vshrl.u32 v0, $0x10;
	[tilespmem:$0x2800] =	vst v3;
	v3 =	vld [tilespmem:$0x30]  }
0x25: {  	[tilespmem:$0x2880] =	vst v0;
	v0 =	vand.u32 $0xFFFF, v1  }
0x26: {  	[tilespmem:$0x2810] =	vst v0;
	v0 =	vshrl.u32 v1, $0x10;
	v1 =	vld [tilespmem:$0x40]  }
0x27: {  	[tilespmem:$0x2890] =	vst v0;
	v0 =	vand.u32 $0xFFFF, v2  }
0x28: {  	[tilespmem:$0x2820] =	vst v0;
	v0 =	vshrl.u32 v2, $0x10;
	v2 =	vld [tilespmem:$0x50]  }
0x29: {  	[tilespmem:$0x28A0] =	vst v0;
	v0 =	vand.u32 $0xFFFF, v3  }
0x2a: {  	[tilespmem:$0x2830] =	vst v0;
	v0 =	vshrl.u32 v3, $0x10;
	v3 =	vld [tilespmem:$0x60]  }
0x2b: {  	[tilespmem:$0x28B0] =	vst v0;
	v0 =	vand.u32 $0xFFFF, v1  }
0x2c: {  	[tilespmem:$0x2840] =	vst v0;
	v0 =	vshrl.u32 v1, $0x10;
	v1 =	vld [tilespmem:$0x70]  }
0x2d: {  	[tilespmem:$0x28C0] =	vst v0;
	v0 =	vand.u32 $0xFFFF, v2  }
0x2e: {  	[tilespmem:$0x2850] =	vst v0;
	v0 =	vshrl.u32 v2, $0x10  }
0x2f: {  	[tilespmem:$0x28D0] =	vst v0;
	v0 =	vand.u32 $0xFFFF, v3  }
0x30: {  	[tilespmem:$0x2860] =	vst v0;
	v0 =	vshrl.u32 v3, $0x10  }
0x31: {  	[tilespmem:$0x28E0] =	vst v0;
	v0 =	vand.u32 $0xFFFF, v1  }
0x32: {  	[tilespmem:$0x2870] =	vst v0;
	v0 =	vshrl.u32 v1, $0x10  }
0x33: {  	[tilespmem:$0x28F0] =	vst v0  }
0x34: {  	[tilespmem:s15], [sflag:$0x1] =	stream.indirect.gather [hbm4b:s1+s13], $0x80, s14, s13, $0x2000b8;
	[tilespmem:$0x1E600] =	vst v63  }
0x35: {  	v0 =	vld [tilespmem:$0x80];
	_ =	sdelay $0x1  }
0x36: {  	v1 =	vld [tilespmem:$0x90];
	_ =	sdelay $0x1  }
0x37: {  	v2 =	vld [tilespmem:$0xA0]  }
0x38: {  	v3 =	vand.u32 $0xFFFF, v0  }
0x39: {  	v0 =	vshrl.u32 v0, $0x10;
	[tilespmem:$0x2900] =	vst v3;
	v3 =	vld [tilespmem:$0xB0]  }
0x3a: {  	[tilespmem:$0x2980] =	vst v0;
	v0 =	vand.u32 $0xFFFF, v1  }
0x3b: {  	[tilespmem:$0x2910] =	vst v0;
	v0 =	vshrl.u32 v1, $0x10;
	v1 =	vld [tilespmem:$0xC0]  }
0x3c: {  	[tilespmem:$0x2990] =	vst v0;
	v0 =	vand.u32 $0xFFFF, v2  }
0x3d: {  	[tilespmem:$0x2920] =	vst v0;
	v0 =	vshrl.u32 v2, $0x10;
	v2 =	vld [tilespmem:$0xD0]  }
0x3e: {  	[tilespmem:$0x29A0] =	vst v0;
	v0 =	vand.u32 $0xFFFF, v3  }
0x3f: {  	[tilespmem:$0x2930] =	vst v0;
	v0 =	vshrl.u32 v3, $0x10;
	v3 =	vld [tilespmem:$0xE0]  }
0x40: {  	[tilespmem:$0x29B0] =	vst v0;
	v0 =	vand.u32 $0xFFFF, v1  }
0x41: {  	[tilespmem:$0x2940] =	vst v0;
	v0 =	vshrl.u32 v1, $0x10;
	v1 =	vld [tilespmem:$0xF0]  }
0x42: {  	[tilespmem:$0x29C0] =	vst v0;
	v0 =	vand.u32 $0xFFFF, v2  }
0x43: {  	[tilespmem:$0x2950] =	vst v0;
	v0 =	vshrl.u32 v2, $0x10  }
0x44: {  	[tilespmem:$0x29D0] =	vst v0;
	v0 =	vand.u32 $0xFFFF, v3  }
0x45: {  	[tilespmem:$0x2960] =	vst v0;
	v0 =	vshrl.u32 v3, $0x10  }
0x46: {  	[tilespmem:$0x29E0] =	vst v0;
	v0 =	vand.u32 $0xFFFF, v1  }
0x47: {  	[tilespmem:$0x2970] =	vst v0;
	v0 =	vshrl.u32 v1, $0x10  }
0x48: {  	[tilespmem:$0x29F0] =	vst v0  }
0x49: {  	[tilespmem:s17], [sflag:$0x2] =	stream.indirect.gather [hbm4b:s1+s13], $0x80, s16, s13, $0x2000b8;
	[tilespmem:$0x1E600] =	vst v63  }
0x4a: {  	_ =	swait.ge [sflag:s12], $0x4000  }
0x4b: {  	[sflag:s12] =	ssyncset.done $0x0  }
0x4c: {  	[sflag:s12] =	ssyncadd.s32 $0xFFFFC000  }
0x4d: {  	[spmem:s3] =	stream.indirect.scatter.add.f32 [tilespmem:s15], [sflag:$0x3], $0x80, s18, s13, $0x2000b8;
	[tilespmem:$0x1E600] =	vst v63  }
0x4e: {  	_ =	swait.ge [sflag:s19], $0x4000  }
0x4f: {  	[sflag:s19] =	ssyncset.done $0x0  }
0x50: {  	[sflag:s19] =	ssyncadd.s32 $0xFFFFC000  }
0x51: {  	_ =	swait.ge [sflag:s20], $0x4000  }
0x52: {  	[sflag:s20] =	ssyncset.done $0x0  }
0x53: {  	s24 =	simm.s32 $0x1F0;
	[sflag:s20] =	ssyncadd.s32 $0xFFFFC000  }
0x54: {  	v0 =	vld [tilespmem:s24+$0xFFFFFF10];
	_ =	sdelay $0x4  }
0x55: {  	v1 =	vand.u32 $0xFFFF, v0  }
0x56: {  	v0 =	vshrl.u32 v0, $0x10;
	[tilespmem:$0x2800] =	vst v1  }
0x57: {  	[tilespmem:$0x2880] =	vst v0  }
0x58: {  	v0 =	vld [tilespmem:s24+$0xFFFFFF20];
	_ =	sdelay $0x4  }
0x59: {  	v1 =	vand.u32 $0xFFFF, v0  }
0x5a: {  	v0 =	vshrl.u32 v0, $0x10;
	[tilespmem:$0x2810] =	vst v1  }
0x5b: {  	[tilespmem:$0x2890] =	vst v0  }
0x5c: {  	v0 =	vld [tilespmem:s24+$0xFFFFFF30];
	_ =	sdelay $0x4  }
0x5d: {  	v1 =	vand.u32 $0xFFFF, v0  }
0x5e: {  	v0 =	vshrl.u32 v0, $0x10;
	[tilespmem:$0x2820] =	vst v1  }
0x5f: {  	[tilespmem:$0x28A0] =	vst v0  }
0x60: {  	v0 =	vld [tilespmem:s24+$0xFFFFFF40];
	_ =	sdelay $0x4  }
0x61: {  	v1 =	vand.u32 $0xFFFF, v0  }
0x62: {  	v0 =	vshrl.u32 v0, $0x10;
	[tilespmem:$0x2830] =	vst v1  }
0x63: {  	[tilespmem:$0x28B0] =	vst v0  }
0x64: {  	v0 =	vld [tilespmem:s24+$0xFFFFFF50];
	_ =	sdelay $0x4  }
0x65: {  	v1 =	vand.u32 $0xFFFF, v0  }
0x66: {  	v0 =	vshrl.u32 v0, $0x10;
	[tilespmem:$0x2840] =	vst v1  }
0x67: {  	[tilespmem:$0x28C0] =	vst v0  }
0x68: {  	v0 =	vld [tilespmem:s24+$0xFFFFFF60];
	_ =	sdelay $0x4  }
0x69: {  	v1 =	vand.u32 $0xFFFF, v0  }
0x6a: {  	v0 =	vshrl.u32 v0, $0x10;
	[tilespmem:$0x2850] =	vst v1  }
0x6b: {  	[tilespmem:$0x28D0] =	vst v0  }
0x6c: {  	v0 =	vld [tilespmem:s24+$0xFFFFFF70];
	_ =	sdelay $0x4  }
0x6d: {  	v1 =	vand.u32 $0xFFFF, v0  }
0x6e: {  	v0 =	vshrl.u32 v0, $0x10;
	[tilespmem:$0x2860] =	vst v1  }
0x6f: {  	[tilespmem:$0x28E0] =	vst v0  }
0x70: {  	v0 =	vld [tilespmem:s24+$0xFFFFFF80];
	_ =	sdelay $0x4  }
0x71: {  	v1 =	vand.u32 $0xFFFF, v0  }
0x72: {  	v0 =	vshrl.u32 v0, $0x10;
	[tilespmem:$0x2870] =	vst v1  }
0x73: {  	[tilespmem:$0x28F0] =	vst v0  }
0x74: {  	[tilespmem:s15], [sflag:$0x1] =	stream.indirect.gather [hbm4b:s1+s13], $0x80, s14, s13, $0x2000b8;
	[tilespmem:$0x1E600] =	vst v63  }
0x75: {  	_ = 	snop  }
0x76: {  	[spmem:s3] =	stream.indirect.scatter.add.f32 [tilespmem:s17], [sflag:$0x4], $0x80, s21, s13, $0x2000b8;
	[tilespmem:$0x1E600] =	vst v63  }
0x77: {  	_ =	swait.ge [sflag:s12], $0x4000  }
0x78: {  	[sflag:s12] =	ssyncset.done $0x0  }
0x79: {  	[sflag:s12] =	ssyncadd.s32 $0xFFFFC000  }
0x7a: {  	_ =	swait.ge [sflag:s22], $0x4000  }
0x7b: {  	[sflag:s22] =	ssyncset.done $0x0  }
0x7c: {  	[sflag:s22] =	ssyncadd.s32 $0xFFFFC000  }
0x7d: {  	v0 =	vld [tilespmem:s24+$0xFFFFFF90];
	_ =	sdelay $0x4  }
0x7e: {  	v1 =	vand.u32 $0xFFFF, v0  }
0x7f: {  	v0 =	vshrl.u32 v0, $0x10;
	[tilespmem:$0x2900] =	vst v1  }
0x80: {  	[tilespmem:$0x2980] =	vst v0  }
0x81: {  	v0 =	vld [tilespmem:s24+$0xFFFFFFA0];
	_ =	sdelay $0x4  }
0x82: {  	v1 =	vand.u32 $0xFFFF, v0  }
0x83: {  	v0 =	vshrl.u32 v0, $0x10;
	[tilespmem:$0x2910] =	vst v1  }
0x84: {  	[tilespmem:$0x2990] =	vst v0  }
0x85: {  	v0 =	vld [tilespmem:s24+$0xFFFFFFB0];
	_ =	sdelay $0x4  }
0x86: {  	v1 =	vand.u32 $0xFFFF, v0  }
0x87: {  	v0 =	vshrl.u32 v0, $0x10;
	[tilespmem:$0x2920] =	vst v1  }
0x88: {  	[tilespmem:$0x29A0] =	vst v0  }
0x89: {  	v0 =	vld [tilespmem:s24+$0xFFFFFFC0];
	_ =	sdelay $0x4  }
0x8a: {  	v1 =	vand.u32 $0xFFFF, v0  }
0x8b: {  	v0 =	vshrl.u32 v0, $0x10;
	[tilespmem:$0x2930] =	vst v1  }
0x8c: {  	[tilespmem:$0x29B0] =	vst v0  }
0x8d: {  	v0 =	vld [tilespmem:s24+$0xFFFFFFD0];
	_ =	sdelay $0x4  }
0x8e: {  	v1 =	vand.u32 $0xFFFF, v0  }
0x8f: {  	v0 =	vshrl.u32 v0, $0x10;
	[tilespmem:$0x2940] =	vst v1  }
0x90: {  	[tilespmem:$0x29C0] =	vst v0  }
0x91: {  	v0 =	vld [tilespmem:s24+$0xFFFFFFE0];
	_ =	sdelay $0x4  }
0x92: {  	v1 =	vand.u32 $0xFFFF, v0  }
0x93: {  	v0 =	vshrl.u32 v0, $0x10;
	[tilespmem:$0x2950] =	vst v1  }
0x94: {  	[tilespmem:$0x29D0] =	vst v0  }
0x95: {  	s25 =	simm.s32 $0xBC0;
	v0 =	vld [tilespmem:s24+$0xFFFFFFF0]  }
.LBB2_2:
0x96: {  	_ = 	snop  }
0x97: {  	p0 =	sne.s32 s25, $0x9FC0;
	s26 =	smov.u32 s25;
	s25 =	sadd.s32 $0x400, s25  }
0x98: {  	_ =	sdelay $0x1  }
0x99: {  	v1 =	vand.u32 $0xFFFF, v0;
	v0 =	vshrl.u32 v0, $0x10  }
0x9a: {  	[tilespmem:$0x2960] =	vst v1  }
0x9b: {  	[tilespmem:$0x29E0] =	vst v0  }
0x9c: {  	v0 =	vld [tilespmem:s24+$0x0];
	_ =	sdelay $0x4  }
0x9d: {  	v1 =	vand.u32 $0xFFFF, v0;
	v0 =	vshrl.u32 v0, $0x10  }
0x9e: {  	[tilespmem:$0x2970] =	vst v1  }
0x9f: {  	[tilespmem:$0x29F0] =	vst v0  }
0xa0: {  	[tilespmem:s17], [sflag:$0x2] =	stream.indirect.gather [hbm4b:s1+s13], $0x80, s16, s13, $0x2000b8;
	[tilespmem:$0x1E600] =	vst v63  }
0xa1: {  	_ = 	snop  }
0xa2: {  	[spmem:s3] =	stream.indirect.scatter.add.f32 [tilespmem:s15], [sflag:$0x3], $0x80, s18, s13, $0x2000b8;
	[tilespmem:$0x1E600] =	vst v63  }
0xa3: {  	_ =	swait.ge [sflag:s19], $0x4000  }
0xa4: {  	[sflag:s19] =	ssyncset.done $0x0  }
0xa5: {  	[sflag:s19] =	ssyncadd.s32 $0xFFFFC000  }
0xa6: {  	_ =	swait.ge [sflag:s20], $0x4000  }
0xa7: {  	[sflag:s20] =	ssyncset.done $0x0  }
0xa8: {  	s24 =	sshra.s32 s26, $0x2;
	[sflag:s20] =	ssyncadd.s32 $0xFFFFC000  }
0xa9: {  	v0 =	vld [tilespmem:s24+$0xFFFFFF10];
	_ =	sdelay $0x4  }
0xaa: {  	v1 =	vand.u32 $0xFFFF, v0;
	v0 =	vshrl.u32 v0, $0x10  }
0xab: {  	[tilespmem:$0x2800] =	vst v1  }
0xac: {  	[tilespmem:$0x2880] =	vst v0  }
0xad: {  	v0 =	vld [tilespmem:s24+$0xFFFFFF20];
	_ =	sdelay $0x4  }
0xae: {  	v1 =	vand.u32 $0xFFFF, v0;
	v0 =	vshrl.u32 v0, $0x10  }
0xaf: {  	[tilespmem:$0x2810] =	vst v1  }
0xb0: {  	[tilespmem:$0x2890] =	vst v0  }
0xb1: {  	v0 =	vld [tilespmem:s24+$0xFFFFFF30];
	_ =	sdelay $0x4  }
0xb2: {  	v1 =	vand.u32 $0xFFFF, v0;
	v0 =	vshrl.u32 v0, $0x10  }
0xb3: {  	[tilespmem:$0x2820] =	vst v1  }
0xb4: {  	[tilespmem:$0x28A0] =	vst v0  }
0xb5: {  	v0 =	vld [tilespmem:s24+$0xFFFFFF40];
	_ =	sdelay $0x4  }
0xb6: {  	v1 =	vand.u32 $0xFFFF, v0;
	v0 =	vshrl.u32 v0, $0x10  }
0xb7: {  	[tilespmem:$0x2830] =	vst v1  }
0xb8: {  	[tilespmem:$0x28B0] =	vst v0  }
0xb9: {  	v0 =	vld [tilespmem:s24+$0xFFFFFF50];
	_ =	sdelay $0x4  }
0xba: {  	v1 =	vand.u32 $0xFFFF, v0;
	v0 =	vshrl.u32 v0, $0x10  }
0xbb: {  	[tilespmem:$0x2840] =	vst v1  }
0xbc: {  	[tilespmem:$0x28C0] =	vst v0  }
0xbd: {  	v0 =	vld [tilespmem:s24+$0xFFFFFF60];
	_ =	sdelay $0x4  }
0xbe: {  	v1 =	vand.u32 $0xFFFF, v0;
	v0 =	vshrl.u32 v0, $0x10  }
0xbf: {  	[tilespmem:$0x2850] =	vst v1  }
0xc0: {  	[tilespmem:$0x28D0] =	vst v0  }
0xc1: {  	v0 =	vld [tilespmem:s24+$0xFFFFFF70];
	_ =	sdelay $0x4  }
0xc2: {  	v1 =	vand.u32 $0xFFFF, v0;
	v0 =	vshrl.u32 v0, $0x10  }
0xc3: {  	[tilespmem:$0x2860] =	vst v1  }
0xc4: {  	[tilespmem:$0x28E0] =	vst v0  }
0xc5: {  	v0 =	vld [tilespmem:s24+$0xFFFFFF80];
	_ =	sdelay $0x4  }
0xc6: {  	v1 =	vand.u32 $0xFFFF, v0;
	v0 =	vshrl.u32 v0, $0x10  }
0xc7: {  	[tilespmem:$0x2870] =	vst v1  }
0xc8: {  	[tilespmem:$0x28F0] =	vst v0  }
0xc9: {  	[tilespmem:s15], [sflag:$0x1] =	stream.indirect.gather [hbm4b:s1+s13], $0x80, s14, s13, $0x2000b8;
	[tilespmem:$0x1E600] =	vst v63  }
0xca: {  	_ = 	snop  }
0xcb: {  	[spmem:s3] =	stream.indirect.scatter.add.f32 [tilespmem:s17], [sflag:$0x4], $0x80, s21, s13, $0x2000b8;
	[tilespmem:$0x1E600] =	vst v63  }
0xcc: {  	_ =	swait.ge [sflag:s12], $0x4000  }
0xcd: {  	[sflag:s12] =	ssyncset.done $0x0  }
0xce: {  	[sflag:s12] =	ssyncadd.s32 $0xFFFFC000  }
0xcf: {  	_ =	swait.ge [sflag:s22], $0x4000  }
0xd0: {  	[sflag:s22] =	ssyncset.done $0x0  }
0xd1: {  	[sflag:s22] =	ssyncadd.s32 $0xFFFFC000  }
0xd2: {  	v0 =	vld [tilespmem:s24+$0xFFFFFF90];
	_ =	sdelay $0x4  }
0xd3: {  	v1 =	vand.u32 $0xFFFF, v0;
	v0 =	vshrl.u32 v0, $0x10  }
0xd4: {  	[tilespmem:$0x2900] =	vst v1  }
0xd5: {  	[tilespmem:$0x2980] =	vst v0  }
0xd6: {  	v0 =	vld [tilespmem:s24+$0xFFFFFFA0];
	_ =	sdelay $0x4  }
0xd7: {  	v1 =	vand.u32 $0xFFFF, v0;
	v0 =	vshrl.u32 v0, $0x10  }
0xd8: {  	[tilespmem:$0x2910] =	vst v1  }
0xd9: {  	[tilespmem:$0x2990] =	vst v0  }
0xda: {  	v0 =	vld [tilespmem:s24+$0xFFFFFFB0];
	_ =	sdelay $0x4  }
0xdb: {  	v1 =	vand.u32 $0xFFFF, v0;
	v0 =	vshrl.u32 v0, $0x10  }
0xdc: {  	[tilespmem:$0x2920] =	vst v1  }
0xdd: {  	[tilespmem:$0x29A0] =	vst v0  }
0xde: {  	v0 =	vld [tilespmem:s24+$0xFFFFFFC0];
	_ =	sdelay $0x4  }
0xdf: {  	v1 =	vand.u32 $0xFFFF, v0;
	v0 =	vshrl.u32 v0, $0x10  }
0xe0: {  	[tilespmem:$0x2930] =	vst v1  }
0xe1: {  	[tilespmem:$0x29B0] =	vst v0  }
0xe2: {  	v0 =	vld [tilespmem:s24+$0xFFFFFFD0];
	_ =	sdelay $0x4  }
0xe3: {  	v1 =	vand.u32 $0xFFFF, v0;
	v0 =	vshrl.u32 v0, $0x10  }
0xe4: {  	[tilespmem:$0x2940] =	vst v1  }
0xe5: {  	[tilespmem:$0x29C0] =	vst v0  }
0xe6: {  	v0 =	vld [tilespmem:s24+$0xFFFFFFE0];
	_ =	sdelay $0x3  }
.Ltmp0:
0xe7: {  	(pc) =	sbr.rel @p0 .LBB2_2-.Ltmp0, $4  }
0xe8: {  	v1 =	vand.u32 $0xFFFF, v0;
	v0 =	vshrl.u32 v0, $0x10  }
0xe9: {  	[tilespmem:$0x2950] =	vst v1  }
0xea: {  	[tilespmem:$0x29D0] =	vst v0  }
0xeb: {  	v0 =	vld [tilespmem:s24+$0xFFFFFFF0]  }
0xec: {  	_ =	sdelay $0x3  }
0xed: {  	v1 =	vand.u32 $0xFFFF, v0  }
0xee: {  	v62 =	vshrl.u32 v0, $0x10;
	[tilespmem:$0x2960] =	vst v1  }
0xef: {  	[tilespmem:$0x29E0] =	vst v62  }
0xf0: {  	v0 =	vld [tilespmem:s24+$0x0];
	_ =	sdelay $0x4  }
0xf1: {  	v63 =	vand.u32 $0xFFFF, v0  }
0xf2: {  	v0 =	vshrl.u32 v0, $0x10;
	[tilespmem:$0x2970] =	vst v63  }
0xf3: {  	[tilespmem:$0x29F0] =	vst v0  }
0xf4: {  	[tilespmem:s17], [sflag:$0x2] =	stream.indirect.gather [hbm4b:s1+s13], $0x80, s16, s13, $0x2000b8;
	[tilespmem:$0x1E600] =	vst v63  }
0xf5: {  	_ = 	snop  }
0xf6: {  	[spmem:s3] =	stream.indirect.scatter.add.f32 [tilespmem:s15], [sflag:$0x3], $0x80, s18, s13, $0x2000b8;
	[tilespmem:$0x1E600] =	vst v63  }
0xf7: {  	_ =	swait.ge [sflag:s19], $0x4000  }
0xf8: {  	[sflag:s19] =	ssyncset.done $0x0  }
0xf9: {  	[sflag:s19] =	ssyncadd.s32 $0xFFFFC000  }
0xfa: {  	_ =	swait.ge [sflag:s20], $0x4000  }
0xfb: {  	[sflag:s20] =	ssyncset.done $0x0  }
0xfc: {  	[sflag:s20] =	ssyncadd.s32 $0xFFFFC000  }
0xfd: {  	[spmem:s3] =	stream.indirect.scatter.add.f32 [tilespmem:s17], [sflag:$0x4], $0x80, s21, s13, $0x2000b8;
	[tilespmem:$0x1E600] =	vst v63  }
0xfe: {  	_ =	swait.ge [sflag:s22], $0x4000  }
0xff: {  	[sflag:s22] =	ssyncset.done $0x0  }
0x100: {  	[sflag:s22] =	ssyncadd.s32 $0xFFFFC000  }
0x101: {  	[bflag:$0x0] =	sbarrier.arrive $0xFFFF  }
0x102: {  	s23 =	sadd.s32 $0x1, s23;
	_ =	strace $0x90000049  }
0x103: {  	p0 =	sne.s32 s23, s8;
	_ =	strace $0x8000004A  }
0x104: {  	[hbm:s7], [sflag:s9] =	dma.local [spmem:s10], $0x2780  }
.Ltmp1:
0x105: {  	_ = 	snop;
	(pc) =	sbr.rel @p0 .LBB2_1-.Ltmp1, $4  }
0x106: {  	_ =	swait.ge [sflag:s11], $0x2780  }
0x107: {  	[sflag:s11] =	ssyncset.done $0x0  }
0x108: {  	[sflag:s11] =	ssyncadd.s32 $0xFFFFD880  }
0x109: {  	_ =	strace $0x9000004A  }
0x10a: {  	_ =	sfence.sel $0x180000  }
0x10b: {  	[bflag:$0x0] =	sbarrier.arrive $0xFFFF  }
0x10c: {  	p0 =	sne.s32 s2, $0x0;
	_ =	strace $0x90000047  }
0x10d: {  	s0 =	sadd.s32 @!p0 $0x100000, s0;
	[bflag:$0x2] =	sbarrier.arrive $0xFFFF  }
0x10e: {  	[sflag:s0] =	ssyncadd.tile.s32 @!p0 $0x1;
	_ =	shalt  }
.Lfunc_end2:
_tile_overlayer_lowered:
.L_overlay_start_2:
0x10f: {  	(tag) =	ssettag $0x2  }
0x110: {  	s0 =	rddreg [dreg:$0x0];
	s2 =	stileid.u32  }
0x111: {  	s1 =	rddreg [dreg:$0x1];
	p0 =	sne.s32 s2, $0x0  }
0x112: {  	s3 =	rddreg [dreg:$0x2];
	[bflag:$0x3] =	sbarrier.arrive $0xFFFF;
	s2 =	simm.s32 @!p0 $0x1C05  }
0x113: {  	[timem:s3], [sflag:s2] =	dma.local @!p0 [hbm:s0], s1  }
0x114: {  	s0 =	simm.s32 @!p0 $0x5  }
0x115: {  	_ =	swait.ge @!p0 [sflag:s0], s1  }
0x116: {  	s1 =	ssub.s32 @!p0 $0x0, s1;
	[sflag:s0] =	ssyncset.done @!p0 $0x0  }
0x117: {  	[sflag:s0] =	ssyncadd.s32 @!p0 s1  }
0x118: {  	[bflag:$0x3] =	sbarrier.arrive $0xFFFF  }
0x119: {  	_ =	shalt  }

</sc_bundles>
